<compile_context>
chip_gen: v7x
topology: tpu7x:2x2x1
jax: 0.10.2.dev20260603
libtpu: 0.0.44.dev20260713+nightly
codegen_flags: <defaults>
</compile_context>

<pallas_src>
import functools

import jax
import jax.numpy as jnp
from jax import lax
from jax.experimental import pallas as pl
from jax.experimental.pallas import tpu as pltpu
from jax.experimental.pallas import tpu_sc as plsc

NB = 2048
GP = 32


def _dotT(x, w):
    return jax.lax.dot_general(x, w, (((1,), (1,)), ((), ())),
                               preferred_element_type=jnp.float32)


def _k1_body(tx_ref, sxT_ref, idx_ref, w_ref):
    S = sxT_ref.shape[2]
    NBb = tx_ref.shape[1]
    t = tx_ref[0]
    s = sxT_ref[0]
    cross = jnp.dot(t, s, preferred_element_type=jnp.float32)
    t2 = jnp.sum(t * t, axis=1, keepdims=True)
    s2 = jnp.sum(s * s, axis=0, keepdims=True)
    ds = jnp.clip(t2 + s2 - 2.0 * cross, 0.0, None)
    dd = None
    for c in range(3):
        diff = t[:, c:c + 1] - s[c:c + 1, :]
        dd = diff * diff if dd is None else dd + diff * diff
    iota = jax.lax.broadcasted_iota(jnp.int32, (NBb, S), 1)
    dm = ds
    idxs, ws = [], []
    for k in range(3):
        m = jnp.min(dm, axis=1, keepdims=True)
        ik = jnp.min(jnp.where(dm <= m, iota, S), axis=1, keepdims=True)
        selk = iota == ik
        wd = jnp.sum(jnp.where(selk, dd, 0.0), axis=1, keepdims=True)
        ws.append(1.0 / (wd + 1e-8))
        idxs.append(ik)
        if k < 2:
            dm = jnp.where(selk, jnp.inf, dm)
    rs = ws[0] + ws[1] + ws[2]
    b = pl.program_id(0)
    idx_ref[0] = jnp.concatenate(idxs, axis=1) + b * S
    w_ref[0] = jnp.concatenate([w / rs for w in ws], axis=1)


def _make_sc_gather(PTS, C2, NW):
    PPW = PTS // NW
    NG = PPW // GP
    GPC = GP * 3
    mesh = plsc.VectorSubcoreMesh(core_axis_name="c", subcore_axis_name="s")
    NC = 2

    @functools.partial(
        pl.kernel, mesh=mesh,
        compiler_params=pltpu.CompilerParams(needs_layout_passes=False),
        out_type=jax.ShapeDtypeStruct((PTS * 3, C2), jnp.float32),
        scratch_types=[
            pltpu.VMEM((NG, GPC), jnp.int32),
            pltpu.VMEM((GPC, C2), jnp.float32),
            pltpu.VMEM((GPC, C2), jnp.float32),
            pltpu.SemaphoreType.DMA,
            pltpu.SemaphoreType.DMA,
        ],
    )
    def sc_gather(idx_hbm, f_hbm, out_hbm, idx_v, buf0, buf1, sem0, sem1):
        wid = lax.axis_index("s") * NC + lax.axis_index("c")
        pltpu.sync_copy(idx_hbm.at[pl.ds(wid * NG, NG)], idx_v)
        pltpu.async_copy(f_hbm.at[idx_v.at[0]], buf0, sem0)
        pltpu.async_copy(f_hbm.at[idx_v.at[1]], buf1, sem1)
        obase = wid * NG

        def pair(t, carry):
            g = t * 2
            for b in range(2):
                buf = buf0 if b == 0 else buf1
                sem = sem0 if b == 0 else sem1
                gg = g + b
                pltpu.make_async_copy(f_hbm.at[idx_v.at[0]], buf, sem).wait()
                pltpu.sync_copy(
                    buf, out_hbm.at[pl.ds((obase + gg) * GPC, GPC)])

                @pl.when(gg + 2 < NG)
                def _():
                    pltpu.async_copy(f_hbm.at[idx_v.at[gg + 2]], buf, sem)
            return carry

        lax.fori_loop(0, NG // 2, pair, 0)

    return sc_gather


def _k2_body(rows_ref, w_ref, skip_ref, W1_ref, y1_ref, stats_ref):
    g = rows_ref[0]
    w = w_ref[0]
    interp = (w[:, 0:1] * g[:, :256] + w[:, 1:2] * g[:, 256:512]
              + w[:, 2:3] * g[:, 512:])
    y1 = (_dotT(interp, W1_ref[:, :256])
          + _dotT(skip_ref[0], W1_ref[:, 256:]))
    y1_ref[0] = y1
    st = jnp.concatenate([jnp.sum(y1, axis=0)[None, :],
                          jnp.sum(y1 * y1, axis=0)[None, :]], axis=0)
    first = (pl.program_id(0) == 0) & (pl.program_id(1) == 0)

    @pl.when(first)
    def _():
        stats_ref[...] = st

    @pl.when(jnp.logical_not(first))
    def _():
        stats_ref[...] += st


def _k3_body(y1_ref, a1_ref, c1_ref, W2_ref, y2_ref, stats_ref):
    z = jnp.maximum(y1_ref[0] * a1_ref[...] + c1_ref[...], 0.0)
    y2 = _dotT(z, W2_ref[...])
    y2_ref[0] = y2
    st = jnp.concatenate([jnp.sum(y2, axis=0)[None, :],
                          jnp.sum(y2 * y2, axis=0)[None, :]], axis=0)
    first = (pl.program_id(0) == 0) & (pl.program_id(1) == 0)

    @pl.when(first)
    def _():
        stats_ref[...] = st

    @pl.when(jnp.logical_not(first))
    def _():
        stats_ref[...] += st


def _k4_body(y2_ref, a2_ref, c2_ref, out_ref):
    out_ref[0] = jnp.maximum(y2_ref[0] * a2_ref[...] + c2_ref[...], 0.0)


def kernel(target_xyz, source_xyz, source_features, target_skip_features,
           W1, g1, b1, W2, g2, b2):
    B, N, _ = target_xyz.shape
    S = source_xyz.shape[1]
    C2 = source_features.shape[2]
    C1 = target_skip_features.shape[2]
    nblk = N // NB
    PTS = B * N
    sxT = jnp.transpose(source_xyz, (0, 2, 1))

    gidx, wn = pl.pallas_call(
        _k1_body,
        grid=(B, nblk),
        in_specs=[
            pl.BlockSpec((1, NB, 3), lambda b, n: (b, n, 0)),
            pl.BlockSpec((1, 3, S), lambda b, n: (b, 0, 0)),
        ],
        out_specs=[
            pl.BlockSpec((1, NB, 3), lambda b, n: (b, n, 0)),
            pl.BlockSpec((1, NB, 3), lambda b, n: (b, n, 0)),
        ],
        out_shape=[
            jax.ShapeDtypeStruct((B, N, 3), jnp.int32),
            jax.ShapeDtypeStruct((B, N, 3), jnp.float32),
        ],
    )(target_xyz, sxT)

    sc_gather = _make_sc_gather(PTS, C2, 32)
    rows = sc_gather(gidx.reshape(-1, GP * 3),
                     source_features.reshape(B * S, C2))
    rows = rows.reshape(B, N, 3 * C2)

    y1, st1 = pl.pallas_call(
        _k2_body,
        grid=(B, nblk),
        in_specs=[
            pl.BlockSpec((1, NB, 3 * C2), lambda b, n: (b, n, 0)),
            pl.BlockSpec((1, NB, 3), lambda b, n: (b, n, 0)),
            pl.BlockSpec((1, NB, C1), lambda b, n: (b, n, 0)),
            pl.BlockSpec((256, 384), lambda b, n: (0, 0)),
        ],
        out_specs=[
            pl.BlockSpec((1, NB, 256), lambda b, n: (b, n, 0)),
            pl.BlockSpec((2, 256), lambda b, n: (0, 0)),
        ],
        out_shape=[
            jax.ShapeDtypeStruct((B, N, 256), jnp.float32),
            jax.ShapeDtypeStruct((2, 256), jnp.float32),
        ],
    )(rows, wn, target_skip_features, W1)

    cnt = float(B * N)
    mean1 = st1[0] / cnt
    var1 = st1[1] / cnt - mean1 * mean1
    a1 = g1 * jax.lax.rsqrt(var1 + 1e-5)
    c1 = b1 - mean1 * a1

    y2, st2 = pl.pallas_call(
        _k3_body,
        grid=(B, nblk),
        in_specs=[
            pl.BlockSpec((1, NB, 256), lambda b, n: (b, n, 0)),
            pl.BlockSpec((1, 256), lambda b, n: (0, 0)),
            pl.BlockSpec((1, 256), lambda b, n: (0, 0)),
            pl.BlockSpec((128, 256), lambda b, n: (0, 0)),
        ],
        out_specs=[
            pl.BlockSpec((1, NB, 128), lambda b, n: (b, n, 0)),
            pl.BlockSpec((2, 128), lambda b, n: (0, 0)),
        ],
        out_shape=[
            jax.ShapeDtypeStruct((B, N, 128), jnp.float32),
            jax.ShapeDtypeStruct((2, 128), jnp.float32),
        ],
    )(y1, a1[None, :], c1[None, :], W2)

    mean2 = st2[0] / cnt
    var2 = st2[1] / cnt - mean2 * mean2
    a2 = g2 * jax.lax.rsqrt(var2 + 1e-5)
    c2 = b2 - mean2 * a2

    out = pl.pallas_call(
        _k4_body,
        grid=(B, nblk),
        in_specs=[
            pl.BlockSpec((1, NB, 128), lambda b, n: (b, n, 0)),
            pl.BlockSpec((1, 128), lambda b, n: (0, 0)),
            pl.BlockSpec((1, 128), lambda b, n: (0, 0)),
        ],
        out_specs=pl.BlockSpec((1, NB, 128), lambda b, n: (b, n, 0)),
        out_shape=jax.ShapeDtypeStruct((B, N, 128), jnp.float32),
    )(y2, a2[None, :], c2[None, :])
    return out

# --- scband reference (transcript-rebuilt; emitter-appended) ---
"""Pipeline reference for scband-point-net-feature-propagation-85332410237540 (READ-ONLY COPY).

The authoritative reference and input builder live on the scoring server;
editing this copy changes nothing except your own understanding.
"""

import jax, jax.numpy as jnp
import numpy as np


def setup_inputs(seed: int = 0) -> dict:
    key = jax.random.key(seed)
    ks = jax.random.split(key, 6)
    B, N, S = 8, 4096, 1024
    C2, C1 = 256, 128
    target_xyz = jax.random.normal(ks[0], (B, N, 3), dtype=jnp.float32)
    source_xyz = jax.random.normal(ks[1], (B, S, 3), dtype=jnp.float32)
    source_features = jax.random.normal(ks[2], (B, S, C2), dtype=jnp.float32)
    target_skip_features = jax.random.normal(ks[3], (B, N, C1), dtype=jnp.float32)
    # MLP params: Conv1d(384->256, k=1, bias=False) + BN(256), Conv1d(256->128) + BN(128)
    W1 = jax.random.normal(ks[4], (256, 384), dtype=jnp.float32) / np.sqrt(384.0)
    g1 = jnp.ones((256,), dtype=jnp.float32)
    b1 = jnp.zeros((256,), dtype=jnp.float32)
    W2 = jax.random.normal(ks[5], (128, 256), dtype=jnp.float32) / np.sqrt(256.0)
    g2 = jnp.ones((128,), dtype=jnp.float32)
    b2 = jnp.zeros((128,), dtype=jnp.float32)
    return {
        'target_xyz': target_xyz,
        'source_xyz': source_xyz,
        'source_features': source_features,
        'target_skip_features': target_skip_features,
        'W1': W1, 'g1': g1, 'b1': b1,
        'W2': W2, 'g2': g2, 'b2': b2,
    }


def _square_distance(setA, setB):
    # setA: [B,S,3], setB: [B,N,3] -> [B,S,N]
    a2 = jnp.sum(setA ** 2, axis=2, keepdims=True)
    b2 = jnp.transpose(jnp.sum(setB ** 2, axis=2, keepdims=True), (0, 2, 1))
    cross = jnp.einsum('bsd,bnd->bsn', setA, setB)
    d2 = a2 + b2 - 2.0 * cross
    return jnp.clip(d2, 0.0, None)


def _conv_bn_relu(x, W, g, b):
    # x: [B,N,Cin]; Conv1d k=1 == channel matmul. BatchNorm1d (training mode):
    # normalize over batch+spatial dims with biased variance, eps=1e-5.
    y = jnp.einsum('bnc,oc->bno', x, W)
    mean = jnp.mean(y, axis=(0, 1))
    var = jnp.mean((y - mean) ** 2, axis=(0, 1))
    yhat = (y - mean) / jnp.sqrt(var + 1e-5)
    return jax.nn.relu(yhat * g + b)


def reference(target_xyz, source_xyz, source_features, target_skip_features, W1, g1, b1, W2, g2, b2):
    B = target_xyz.shape[0]
    # 3-NN search: for each target point find 3 nearest source points
    dist2 = _square_distance(target_xyz, source_xyz)  # [B,N,S]
    _, idx = jax.lax.top_k(-dist2, 3)  # smallest distances -> [B,N,3]
    batch_idx = jnp.arange(B)[:, None, None]
    nearest_xyz = source_xyz[batch_idx, idx]  # [B,N,3,3]
    diff = target_xyz[:, :, None, :] - nearest_xyz
    d2 = jnp.sum(diff * diff, axis=-1)  # [B,N,3]
    w = 1.0 / (d2 + 1e-8)
    w = w / jnp.sum(w, axis=2, keepdims=True)
    nearest_feat = source_features[batch_idx, idx]  # [B,N,3,C2]
    interp = jnp.sum(nearest_feat * w[..., None], axis=2)  # [B,N,C2]
    joined = jnp.concatenate([interp, target_skip_features], axis=-1)  # [B,N,384]
    h = _conv_bn_relu(joined, W1, g1, b1)
    out = _conv_bn_relu(h, W2, g2, b2)  # [B,N,128]
    return out

if __name__ == "__main__":
    import jax
    _d = setup_inputs()
    print(jax.jit(kernel)(*tuple(_d.values())))

</pallas_src>

<mosaic_0001>
#map = affine_map<(d0, d1) -> (0, 0)>
module attributes {stable_mosaic.version = 14 : i64} {
  func.func @sc_gather(%arg0: i32, %arg1: i32, %arg2: memref<1024x96xi32, #tpu.memory_space<hbm>>, %arg3: memref<8192x256xf32, #tpu.memory_space<hbm>>, %arg4: memref<98304x256xf32, #tpu.memory_space<hbm>>, %arg5: memref<32x96xi32, #tpu.memory_space<vmem>>, %arg6: memref<96x256xf32, #tpu.memory_space<vmem>>, %arg7: memref<96x256xf32, #tpu.memory_space<vmem>>, %arg8: memref<!tpu.dma_semaphore, #tpu.memory_space<semaphore_mem>>, %arg9: memref<!tpu.dma_semaphore, #tpu.memory_space<semaphore_mem>>) attributes {dimension_semantics = [#tpu.dimension_semantics<core_parallel>, #tpu.dimension_semantics<subcore_parallel>], iteration_bounds = array<i64: 2, 16>, scalar_prefetch = 0 : i64, scratch_operands = 5 : i64, tpu.core_type = #tpu.core_type<sc_vector_subcore>, window_params = [{transform_indices = #map}, {transform_indices = #map}, {transform_indices = #map}]} {
    %mul3A = arith.constant 2 : i32
    %mul3A_0 = arith.muli %arg1, %mul3A : i32
    %add3A = arith.addi %mul3A_0, %arg0 : i32
    %mul3A_1 = arith.constant 32 : i32
    %mul3A_2 = arith.muli %add3A, %mul3A_1 : i32
    "tpu.region"() ({
      %run_scoped3A = tpu.sem_alloc : memref<!tpu.dma_semaphore, #tpu.memory_space<semaphore_mem>>
      %dma_start3A_23 = arith.constant 0 : i32
      %dma_start3A_24 = tpu.memref_slice %arg2[%mul3A_2, %dma_start3A_23] : memref<1024x96xi32, #tpu.memory_space<hbm>> -> memref<32x96xi32, #tpu.memory_space<hbm>>
      %dma_start3A_25 = arith.constant 0 : i32
      %dma_start3A_26 = tpu.memref_slice %arg2[%mul3A_2, %dma_start3A_25] : memref<1024x96xi32, #tpu.memory_space<hbm>> -> memref<32x96xi32, #tpu.memory_space<hbm>>
      tpu.enqueue_dma source(%dma_start3A_26 : memref<32x96xi32, #tpu.memory_space<hbm>>) target(%arg5 : memref<32x96xi32, #tpu.memory_space<vmem>>) target_semaphore(%run_scoped3A : memref<!tpu.dma_semaphore, #tpu.memory_space<semaphore_mem>>)
      %dma_wait3A = arith.constant 0 : i32
      %dma_wait3A_27 = tpu.memref_slice %arg2[%mul3A_2, %dma_wait3A] : memref<1024x96xi32, #tpu.memory_space<hbm>> -> memref<32x96xi32, #tpu.memory_space<hbm>>
      %dma_wait3A_28 = arith.constant 0 : i32
      %dma_wait3A_29 = tpu.memref_slice %arg2[%mul3A_2, %dma_wait3A_28] : memref<1024x96xi32, #tpu.memory_space<hbm>> -> memref<32x96xi32, #tpu.memory_space<hbm>>
      tpu.wait_dma2 semaphore(%run_scoped3A : memref<!tpu.dma_semaphore, #tpu.memory_space<semaphore_mem>>) src(%dma_wait3A_29 : memref<32x96xi32, #tpu.memory_space<hbm>>) dst(%arg5 : memref<32x96xi32, #tpu.memory_space<vmem>>)
      tpu.yield
    }) : () -> ()
    %dma_start3A = arith.constant 0 : i32
    %dma_start3A_3 = arith.constant 0 : i32
    %dma_start3A_4 = tpu.memref_slice %arg5[%dma_start3A, %dma_start3A_3] : memref<32x96xi32, #tpu.memory_space<vmem>> -> memref<1x96xi32, #tpu.memory_space<vmem>>
    %dma_start3A_5 = tpu.memref_squeeze %dma_start3A_4 : memref<1x96xi32, #tpu.memory_space<vmem>> -> memref<96xi32, #tpu.memory_space<vmem>>
    %dma_start3A_6 = arith.constant 0 : i32
    %dma_start3A_7 = arith.constant 0 : i32
    %dma_start3A_8 = tpu.memref_slice %arg3[%dma_start3A_6, %dma_start3A_7] : memref<8192x256xf32, #tpu.memory_space<hbm>> -> memref<8192x256xf32, #tpu.memory_space<hbm>>
    tpu.enqueue_indirect_dma source(%dma_start3A_8 : memref<8192x256xf32, #tpu.memory_space<hbm>>) target(%arg6 : memref<96x256xf32, #tpu.memory_space<vmem>>) offsets(%dma_start3A_5 : memref<96xi32, #tpu.memory_space<vmem>>) semaphore(%arg8 : memref<!tpu.dma_semaphore, #tpu.memory_space<semaphore_mem>>)
    %dma_start3A_9 = arith.constant 1 : i32
    %dma_start3A_10 = arith.constant 0 : i32
    %dma_start3A_11 = tpu.memref_slice %arg5[%dma_start3A_9, %dma_start3A_10] : memref<32x96xi32, #tpu.memory_space<vmem>> -> memref<1x96xi32, #tpu.memory_space<vmem>>
    %dma_start3A_12 = tpu.memref_squeeze %dma_start3A_11 : memref<1x96xi32, #tpu.memory_space<vmem>> -> memref<96xi32, #tpu.memory_space<vmem>>
    %dma_start3A_13 = arith.constant 0 : i32
    %dma_start3A_14 = arith.constant 0 : i32
    %dma_start3A_15 = tpu.memref_slice %arg3[%dma_start3A_13, %dma_start3A_14] : memref<8192x256xf32, #tpu.memory_space<hbm>> -> memref<8192x256xf32, #tpu.memory_space<hbm>>
    tpu.enqueue_indirect_dma source(%dma_start3A_15 : memref<8192x256xf32, #tpu.memory_space<hbm>>) target(%arg7 : memref<96x256xf32, #tpu.memory_space<vmem>>) offsets(%dma_start3A_12 : memref<96xi32, #tpu.memory_space<vmem>>) semaphore(%arg9 : memref<!tpu.dma_semaphore, #tpu.memory_space<semaphore_mem>>)
    %mul3A_16 = arith.constant 32 : i32
    %mul3A_17 = arith.muli %add3A, %mul3A_16 : i32
    %scan3A = arith.constant 0 : i32
    %scan3A_18 = arith.constant 0 : i32
    %scan3A_19 = arith.constant 16 : i32
    %scan3A_20 = arith.addi %scan3A_18, %scan3A_19 : i32
    %scan3A_21 = arith.constant 1 : i32
    scf.for %scan3A_23 = %scan3A_18 to %scan3A_20 step %scan3A_21  : i32 {
      %mul3A_24 = arith.constant 2 : i32
      %mul3A_25 = arith.muli %scan3A_23, %mul3A_24 : i32
      %add3A_26 = arith.constant 0 : i32
      %add3A_27 = arith.addi %mul3A_25, %add3A_26 : i32
      %dma_wait3A = arith.constant 0 : i32
      %dma_wait3A_28 = arith.constant 0 : i32
      %dma_wait3A_29 = tpu.memref_slice %arg5[%dma_wait3A, %dma_wait3A_28] : memref<32x96xi32, #tpu.memory_space<vmem>> -> memref<1x96xi32, #tpu.memory_space<vmem>>
      %dma_wait3A_30 = tpu.memref_squeeze %dma_wait3A_29 : memref<1x96xi32, #tpu.memory_space<vmem>> -> memref<96xi32, #tpu.memory_space<vmem>>
      %dma_wait3A_31 = arith.constant 0 : i32
      %dma_wait3A_32 = arith.constant 0 : i32
      %dma_wait3A_33 = tpu.memref_slice %arg3[%dma_wait3A_31, %dma_wait3A_32] : memref<8192x256xf32, #tpu.memory_space<hbm>> -> memref<8192x256xf32, #tpu.memory_space<hbm>>
      tpu.wait_indirect_dma semaphore(%arg8 : memref<!tpu.dma_semaphore, #tpu.memory_space<semaphore_mem>>) src(%dma_wait3A_33 : memref<8192x256xf32, #tpu.memory_space<hbm>>) dst(%arg6 : memref<96x256xf32, #tpu.memory_space<vmem>>)
      %add3A_34 = arith.addi %mul3A_17, %add3A_27 : i32
      %mul3A_35 = arith.constant 96 : i32
      %mul3A_36 = arith.muli %add3A_34, %mul3A_35 : i32
      "tpu.region"() ({
        %run_scoped3A = tpu.sem_alloc : memref<!tpu.dma_semaphore, #tpu.memory_space<semaphore_mem>>
        %dma_start3A_60 = arith.constant 0 : i32
        %dma_start3A_61 = tpu.memref_slice %arg4[%mul3A_36, %dma_start3A_60] : memref<98304x256xf32, #tpu.memory_space<hbm>> -> memref<96x256xf32, #tpu.memory_space<hbm>>
        %dma_start3A_62 = arith.constant 0 : i32
        %dma_start3A_63 = tpu.memref_slice %arg4[%mul3A_36, %dma_start3A_62] : memref<98304x256xf32, #tpu.memory_space<hbm>> -> memref<96x256xf32, #tpu.memory_space<hbm>>
        tpu.enqueue_dma source(%arg6 : memref<96x256xf32, #tpu.memory_space<vmem>>) target(%dma_start3A_63 : memref<96x256xf32, #tpu.memory_space<hbm>>) target_semaphore(%run_scoped3A : memref<!tpu.dma_semaphore, #tpu.memory_space<semaphore_mem>>)
        %dma_wait3A_64 = arith.constant 0 : i32
        %dma_wait3A_65 = tpu.memref_slice %arg4[%mul3A_36, %dma_wait3A_64] : memref<98304x256xf32, #tpu.memory_space<hbm>> -> memref<96x256xf32, #tpu.memory_space<hbm>>
        %dma_wait3A_66 = arith.constant 0 : i32
        %dma_wait3A_67 = tpu.memref_slice %arg4[%mul3A_36, %dma_wait3A_66] : memref<98304x256xf32, #tpu.memory_space<hbm>> -> memref<96x256xf32, #tpu.memory_space<hbm>>
        tpu.wait_dma2 semaphore(%run_scoped3A : memref<!tpu.dma_semaphore, #tpu.memory_space<semaphore_mem>>) src(%arg6 : memref<96x256xf32, #tpu.memory_space<vmem>>) dst(%dma_wait3A_67 : memref<96x256xf32, #tpu.memory_space<hbm>>)
        tpu.yield
      }) : () -> ()
      %add3A_37 = arith.constant 2 : i32
      %add3A_38 = arith.addi %add3A_27, %add3A_37 : i32
      %lt3A = arith.constant 32 : i32
      %lt3A_39 = arith.cmpi slt, %add3A_38, %lt3A : i32
      %convert_element_type3A = arith.extui %lt3A_39 : i1 to i32
      %cond3A = arith.constant 0 : i32
      %cond3A_40 = arith.cmpi ne, %convert_element_type3A, %cond3A : i32
      scf.if %cond3A_40 {
        %add3A_60 = arith.constant 2 : i32
        %add3A_61 = arith.addi %add3A_27, %add3A_60 : i32
        %dma_start3A_62 = arith.constant 0 : i32
        %dma_start3A_63 = tpu.memref_slice %arg5[%add3A_61, %dma_start3A_62] : memref<32x96xi32, #tpu.memory_space<vmem>> -> memref<1x96xi32, #tpu.memory_space<vmem>>
        %dma_start3A_64 = tpu.memref_squeeze %dma_start3A_63 : memref<1x96xi32, #tpu.memory_space<vmem>> -> memref<96xi32, #tpu.memory_space<vmem>>
        %dma_start3A_65 = arith.constant 0 : i32
        %dma_start3A_66 = arith.constant 0 : i32
        %dma_start3A_67 = tpu.memref_slice %arg3[%dma_start3A_65, %dma_start3A_66] : memref<8192x256xf32, #tpu.memory_space<hbm>> -> memref<8192x256xf32, #tpu.memory_space<hbm>>
        tpu.enqueue_indirect_dma source(%dma_start3A_67 : memref<8192x256xf32, #tpu.memory_space<hbm>>) target(%arg6 : memref<96x256xf32, #tpu.memory_space<vmem>>) offsets(%dma_start3A_64 : memref<96xi32, #tpu.memory_space<vmem>>) semaphore(%arg8 : memref<!tpu.dma_semaphore, #tpu.memory_space<semaphore_mem>>)
      } else {
      }
      %add3A_41 = arith.constant 1 : i32
      %add3A_42 = arith.addi %mul3A_25, %add3A_41 : i32
      %dma_wait3A_43 = arith.constant 0 : i32
      %dma_wait3A_44 = arith.constant 0 : i32
      %dma_wait3A_45 = tpu.memref_slice %arg5[%dma_wait3A_43, %dma_wait3A_44] : memref<32x96xi32, #tpu.memory_space<vmem>> -> memref<1x96xi32, #tpu.memory_space<vmem>>
      %dma_wait3A_46 = tpu.memref_squeeze %dma_wait3A_45 : memref<1x96xi32, #tpu.memory_space<vmem>> -> memref<96xi32, #tpu.memory_space<vmem>>
      %dma_wait3A_47 = arith.constant 0 : i32
      %dma_wait3A_48 = arith.constant 0 : i32
      %dma_wait3A_49 = tpu.memref_slice %arg3[%dma_wait3A_47, %dma_wait3A_48] : memref<8192x256xf32, #tpu.memory_space<hbm>> -> memref<8192x256xf32, #tpu.memory_space<hbm>>
      tpu.wait_indirect_dma semaphore(%arg9 : memref<!tpu.dma_semaphore, #tpu.memory_space<semaphore_mem>>) src(%dma_wait3A_49 : memref<8192x256xf32, #tpu.memory_space<hbm>>) dst(%arg7 : memref<96x256xf32, #tpu.memory_space<vmem>>)
      %add3A_50 = arith.addi %mul3A_17, %add3A_42 : i32
      %mul3A_51 = arith.constant 96 : i32
      %mul3A_52 = arith.muli %add3A_50, %mul3A_51 : i32
      "tpu.region"() ({
        %run_scoped3A = tpu.sem_alloc : memref<!tpu.dma_semaphore, #tpu.memory_space<semaphore_mem>>
        %dma_start3A_60 = arith.constant 0 : i32
        %dma_start3A_61 = tpu.memref_slice %arg4[%mul3A_52, %dma_start3A_60] : memref<98304x256xf32, #tpu.memory_space<hbm>> -> memref<96x256xf32, #tpu.memory_space<hbm>>
        %dma_start3A_62 = arith.constant 0 : i32
        %dma_start3A_63 = tpu.memref_slice %arg4[%mul3A_52, %dma_start3A_62] : memref<98304x256xf32, #tpu.memory_space<hbm>> -> memref<96x256xf32, #tpu.memory_space<hbm>>
        tpu.enqueue_dma source(%arg7 : memref<96x256xf32, #tpu.memory_space<vmem>>) target(%dma_start3A_63 : memref<96x256xf32, #tpu.memory_space<hbm>>) target_semaphore(%run_scoped3A : memref<!tpu.dma_semaphore, #tpu.memory_space<semaphore_mem>>)
        %dma_wait3A_64 = arith.constant 0 : i32
        %dma_wait3A_65 = tpu.memref_slice %arg4[%mul3A_52, %dma_wait3A_64] : memref<98304x256xf32, #tpu.memory_space<hbm>> -> memref<96x256xf32, #tpu.memory_space<hbm>>
        %dma_wait3A_66 = arith.constant 0 : i32
        %dma_wait3A_67 = tpu.memref_slice %arg4[%mul3A_52, %dma_wait3A_66] : memref<98304x256xf32, #tpu.memory_space<hbm>> -> memref<96x256xf32, #tpu.memory_space<hbm>>
        tpu.wait_dma2 semaphore(%run_scoped3A : memref<!tpu.dma_semaphore, #tpu.memory_space<semaphore_mem>>) src(%arg7 : memref<96x256xf32, #tpu.memory_space<vmem>>) dst(%dma_wait3A_67 : memref<96x256xf32, #tpu.memory_space<hbm>>)
        tpu.yield
      }) : () -> ()
      %add3A_53 = arith.constant 2 : i32
      %add3A_54 = arith.addi %add3A_42, %add3A_53 : i32
      %lt3A_55 = arith.constant 32 : i32
      %lt3A_56 = arith.cmpi slt, %add3A_54, %lt3A_55 : i32
      %convert_element_type3A_57 = arith.extui %lt3A_56 : i1 to i32
      %cond3A_58 = arith.constant 0 : i32
      %cond3A_59 = arith.cmpi ne, %convert_element_type3A_57, %cond3A_58 : i32
      scf.if %cond3A_59 {
        %add3A_60 = arith.constant 2 : i32
        %add3A_61 = arith.addi %add3A_42, %add3A_60 : i32
        %dma_start3A_62 = arith.constant 0 : i32
        %dma_start3A_63 = tpu.memref_slice %arg5[%add3A_61, %dma_start3A_62] : memref<32x96xi32, #tpu.memory_space<vmem>> -> memref<1x96xi32, #tpu.memory_space<vmem>>
        %dma_start3A_64 = tpu.memref_squeeze %dma_start3A_63 : memref<1x96xi32, #tpu.memory_space<vmem>> -> memref<96xi32, #tpu.memory_space<vmem>>
        %dma_start3A_65 = arith.constant 0 : i32
        %dma_start3A_66 = arith.constant 0 : i32
        %dma_start3A_67 = tpu.memref_slice %arg3[%dma_start3A_65, %dma_start3A_66] : memref<8192x256xf32, #tpu.memory_space<hbm>> -> memref<8192x256xf32, #tpu.memory_space<hbm>>
        tpu.enqueue_indirect_dma source(%dma_start3A_67 : memref<8192x256xf32, #tpu.memory_space<hbm>>) target(%arg7 : memref<96x256xf32, #tpu.memory_space<vmem>>) offsets(%dma_start3A_64 : memref<96xi32, #tpu.memory_space<vmem>>) semaphore(%arg9 : memref<!tpu.dma_semaphore, #tpu.memory_space<semaphore_mem>>)
      } else {
      }
    }
    %scan3A_22 = arith.constant 16 : i32
    return
  }
}

module attributes {stable_mosaic.version = 14 : i64} {
  func.func @_k1_body(%arg0: i32, %arg1: i32, %arg2: memref<1x2048x3xf32, #tpu.memory_space<vmem>>, %arg3: memref<1x3x1024xf32, #tpu.memory_space<vmem>>, %arg4: memref<1x2048x3xi32, #tpu.memory_space<vmem>>, %arg5: memref<1x2048x3xf32, #tpu.memory_space<vmem>>) attributes {dimension_semantics = [#tpu.dimension_semantics<arbitrary>, #tpu.dimension_semantics<arbitrary>], iteration_bounds = array<i64: 8, 2>, scalar_prefetch = 0 : i64, scratch_operands = 0 : i64, tpu.core_type = #tpu.core_type<tc>, window_params = [{transform_indices = @transform_0, window_bounds = array<i64: 1, 2048, 3>}, {transform_indices = @transform_1, window_bounds = array<i64: 1, 3, 1024>}, {transform_indices = @transform_2, window_bounds = array<i64: 1, 2048, 3>}, {transform_indices = @transform_3, window_bounds = array<i64: 1, 2048, 3>}]} {
    %get3A = arith.constant 0 : index
    %get3A_0 = arith.constant 0 : index
    %get3A_1 = arith.constant 0 : index
    %get3A_2 = vector.load %arg2[%get3A, %get3A_0, %get3A_1] : memref<1x2048x3xf32, #tpu.memory_space<vmem>>, vector<1x2048x3xf32>
    %get3A_3 = vector.shape_cast %get3A_2 : vector<1x2048x3xf32> to vector<2048x3xf32>
    %get3A_4 = arith.constant 0 : index
    %get3A_5 = arith.constant 0 : index
    %get3A_6 = arith.constant 0 : index
    %get3A_7 = vector.load %arg3[%get3A_4, %get3A_5, %get3A_6] : memref<1x3x1024xf32, #tpu.memory_space<vmem>>, vector<1x3x1024xf32>
    %get3A_8 = vector.shape_cast %get3A_7 : vector<1x3x1024xf32> to vector<3x1024xf32>
    %dot_general3A = arith.constant dense<0.000000e+00> : vector<2048x1024xf32>
    %dot_general3A_9 = tpu.matmul %get3A_3, %get3A_8, %dot_general3A {dimension_numbers = #tpu.dot_dimension_numbers<[1], [0], [0], [1], [0, 0, 1, 1], [], []>, transpose_lhs_hint = false} : vector<2048x3xf32>, vector<3x1024xf32>, vector<2048x1024xf32> -> vector<2048x1024xf32>
    %mul3A = arith.mulf %get3A_3, %get3A_3 : vector<2048x3xf32>
    %reduce_sum3A = arith.constant dense<0.000000e+00> : vector<2048xf32>
    %reduce_sum3A_10 = vector.multi_reduction <add>, %mul3A, %reduce_sum3A [1] : vector<2048x3xf32> to vector<2048xf32>
    %broadcast_in_dim3A = vector.shape_cast %reduce_sum3A_10 : vector<2048xf32> to vector<2048x1xf32>
    %mul3A_11 = arith.mulf %get3A_8, %get3A_8 : vector<3x1024xf32>
    %reduce_sum3A_12 = arith.constant dense<0.000000e+00> : vector<1024xf32>
    %reduce_sum3A_13 = vector.multi_reduction <add>, %mul3A_11, %reduce_sum3A_12 [0] : vector<3x1024xf32> to vector<1024xf32>
    %broadcast_in_dim3A_14 = vector.shape_cast %reduce_sum3A_13 : vector<1024xf32> to vector<1x1024xf32>
    %add3A = vector.broadcast %broadcast_in_dim3A : vector<2048x1xf32> to vector<2048x1024xf32>
    %add3A_15 = vector.broadcast %broadcast_in_dim3A_14 : vector<1x1024xf32> to vector<2048x1024xf32>
    %add3A_16 = arith.addf %add3A, %add3A_15 : vector<2048x1024xf32>
    %mul3A_17 = arith.constant 2.000000e+00 : f32
    %mul3A_18 = vector.broadcast %mul3A_17 : f32 to vector<2048x1024xf32>
    %mul3A_19 = arith.mulf %mul3A_18, %dot_general3A_9 : vector<2048x1024xf32>
    %sub3A = arith.subf %add3A_16, %mul3A_19 : vector<2048x1024xf32>
    %jit3A = arith.constant 0.000000e+00 : f32
    %max3A = vector.broadcast %jit3A : f32 to vector<2048x1024xf32>
    %max3A_20 = arith.maximumf %max3A, %sub3A : vector<2048x1024xf32>
    %slice3A = vector.extract_strided_slice %get3A_3 {offsets = [0, 0], sizes = [2048, 1], strides = [1, 1]} : vector<2048x3xf32> to vector<2048x1xf32>
    %slice3A_21 = vector.extract_strided_slice %get3A_8 {offsets = [0, 0], sizes = [1, 1024], strides = [1, 1]} : vector<3x1024xf32> to vector<1x1024xf32>
    %sub3A_22 = vector.broadcast %slice3A : vector<2048x1xf32> to vector<2048x1024xf32>
    %sub3A_23 = vector.broadcast %slice3A_21 : vector<1x1024xf32> to vector<2048x1024xf32>
    %sub3A_24 = arith.subf %sub3A_22, %sub3A_23 : vector<2048x1024xf32>
    %mul3A_25 = arith.mulf %sub3A_24, %sub3A_24 : vector<2048x1024xf32>
    %slice3A_26 = vector.extract_strided_slice %get3A_3 {offsets = [0, 1], sizes = [2048, 1], strides = [1, 1]} : vector<2048x3xf32> to vector<2048x1xf32>
    %slice3A_27 = vector.extract_strided_slice %get3A_8 {offsets = [1, 0], sizes = [1, 1024], strides = [1, 1]} : vector<3x1024xf32> to vector<1x1024xf32>
    %sub3A_28 = vector.broadcast %slice3A_26 : vector<2048x1xf32> to vector<2048x1024xf32>
    %sub3A_29 = vector.broadcast %slice3A_27 : vector<1x1024xf32> to vector<2048x1024xf32>
    %sub3A_30 = arith.subf %sub3A_28, %sub3A_29 : vector<2048x1024xf32>
    %mul3A_31 = arith.mulf %sub3A_30, %sub3A_30 : vector<2048x1024xf32>
    %add3A_32 = arith.addf %mul3A_25, %mul3A_31 : vector<2048x1024xf32>
    %slice3A_33 = vector.extract_strided_slice %get3A_3 {offsets = [0, 2], sizes = [2048, 1], strides = [1, 1]} : vector<2048x3xf32> to vector<2048x1xf32>
    %slice3A_34 = vector.extract_strided_slice %get3A_8 {offsets = [2, 0], sizes = [1, 1024], strides = [1, 1]} : vector<3x1024xf32> to vector<1x1024xf32>
    %sub3A_35 = vector.broadcast %slice3A_33 : vector<2048x1xf32> to vector<2048x1024xf32>
    %sub3A_36 = vector.broadcast %slice3A_34 : vector<1x1024xf32> to vector<2048x1024xf32>
    %sub3A_37 = arith.subf %sub3A_35, %sub3A_36 : vector<2048x1024xf32>
    %mul3A_38 = arith.mulf %sub3A_37, %sub3A_37 : vector<2048x1024xf32>
    %add3A_39 = arith.addf %add3A_32, %mul3A_38 : vector<2048x1024xf32>
    %iota3A = tpu.iota {dimensions = array<i32: 1>} : vector<2048x1024xi32>
    %reduce_min3A = arith.constant dense<0x7F800000> : vector<2048xf32>
    %reduce_min3A_40 = vector.multi_reduction <minimumf>, %max3A_20, %reduce_min3A [1] : vector<2048x1024xf32> to vector<2048xf32>
    %broadcast_in_dim3A_41 = vector.shape_cast %reduce_min3A_40 : vector<2048xf32> to vector<2048x1xf32>
    %le3A = vector.broadcast %broadcast_in_dim3A_41 : vector<2048x1xf32> to vector<2048x1024xf32>
    %le3A_42 = arith.cmpf ole, %max3A_20, %le3A : vector<2048x1024xf32>
    %jit3A_43 = arith.constant 1024 : i32
    %broadcast_in_dim3A_44 = vector.broadcast %jit3A_43 : i32 to vector<2048x1024xi32>
    %select_n3A = arith.select %le3A_42, %iota3A, %broadcast_in_dim3A_44 : vector<2048x1024xi1>, vector<2048x1024xi32>
    %reduce_min3A_45 = arith.constant dense<2147483647> : vector<2048xi32>
    %reduce_min3A_46 = vector.multi_reduction <minsi>, %select_n3A, %reduce_min3A_45 [1] : vector<2048x1024xi32> to vector<2048xi32>
    %broadcast_in_dim3A_47 = vector.shape_cast %reduce_min3A_46 : vector<2048xi32> to vector<2048x1xi32>
    %eq3A = vector.broadcast %broadcast_in_dim3A_47 : vector<2048x1xi32> to vector<2048x1024xi32>
    %eq3A_48 = arith.cmpi eq, %iota3A, %eq3A : vector<2048x1024xi32>
    %jit3A_49 = arith.constant 0.000000e+00 : f32
    %broadcast_in_dim3A_50 = vector.broadcast %jit3A_49 : f32 to vector<2048x1024xf32>
    %select_n3A_51 = arith.select %eq3A_48, %add3A_39, %broadcast_in_dim3A_50 : vector<2048x1024xi1>, vector<2048x1024xf32>
    %reduce_sum3A_52 = arith.constant dense<0.000000e+00> : vector<2048xf32>
    %reduce_sum3A_53 = vector.multi_reduction <add>, %select_n3A_51, %reduce_sum3A_52 [1] : vector<2048x1024xf32> to vector<2048xf32>
    %broadcast_in_dim3A_54 = vector.shape_cast %reduce_sum3A_53 : vector<2048xf32> to vector<2048x1xf32>
    %add3A_55 = arith.constant 9.99999993E-9 : f32
    %add3A_56 = vector.broadcast %add3A_55 : f32 to vector<2048x1xf32>
    %add3A_57 = arith.addf %broadcast_in_dim3A_54, %add3A_56 : vector<2048x1xf32>
    %div3A = arith.constant 1.000000e+00 : f32
    %div3A_58 = vector.broadcast %div3A : f32 to vector<2048x1xf32>
    %div3A_59 = arith.divf %div3A_58, %add3A_57 : vector<2048x1xf32>
    %jit3A_60 = arith.constant 0x7F800000 : f32
    %broadcast_in_dim3A_61 = vector.broadcast %jit3A_60 : f32 to vector<2048x1024xf32>
    %select_n3A_62 = arith.select %eq3A_48, %broadcast_in_dim3A_61, %max3A_20 : vector<2048x1024xi1>, vector<2048x1024xf32>
    %reduce_min3A_63 = arith.constant dense<0x7F800000> : vector<2048xf32>
    %reduce_min3A_64 = vector.multi_reduction <minimumf>, %select_n3A_62, %reduce_min3A_63 [1] : vector<2048x1024xf32> to vector<2048xf32>
    %broadcast_in_dim3A_65 = vector.shape_cast %reduce_min3A_64 : vector<2048xf32> to vector<2048x1xf32>
    %le3A_66 = vector.broadcast %broadcast_in_dim3A_65 : vector<2048x1xf32> to vector<2048x1024xf32>
    %le3A_67 = arith.cmpf ole, %select_n3A_62, %le3A_66 : vector<2048x1024xf32>
    %jit3A_68 = arith.constant 1024 : i32
    %broadcast_in_dim3A_69 = vector.broadcast %jit3A_68 : i32 to vector<2048x1024xi32>
    %select_n3A_70 = arith.select %le3A_67, %iota3A, %broadcast_in_dim3A_69 : vector<2048x1024xi1>, vector<2048x1024xi32>
    %reduce_min3A_71 = arith.constant dense<2147483647> : vector<2048xi32>
    %reduce_min3A_72 = vector.multi_reduction <minsi>, %select_n3A_70, %reduce_min3A_71 [1] : vector<2048x1024xi32> to vector<2048xi32>
    %broadcast_in_dim3A_73 = vector.shape_cast %reduce_min3A_72 : vector<2048xi32> to vector<2048x1xi32>
    %eq3A_74 = vector.broadcast %broadcast_in_dim3A_73 : vector<2048x1xi32> to vector<2048x1024xi32>
    %eq3A_75 = arith.cmpi eq, %iota3A, %eq3A_74 : vector<2048x1024xi32>
    %jit3A_76 = arith.constant 0.000000e+00 : f32
    %broadcast_in_dim3A_77 = vector.broadcast %jit3A_76 : f32 to vector<2048x1024xf32>
    %select_n3A_78 = arith.select %eq3A_75, %add3A_39, %broadcast_in_dim3A_77 : vector<2048x1024xi1>, vector<2048x1024xf32>
    %reduce_sum3A_79 = arith.constant dense<0.000000e+00> : vector<2048xf32>
    %reduce_sum3A_80 = vector.multi_reduction <add>, %select_n3A_78, %reduce_sum3A_79 [1] : vector<2048x1024xf32> to vector<2048xf32>
    %broadcast_in_dim3A_81 = vector.shape_cast %reduce_sum3A_80 : vector<2048xf32> to vector<2048x1xf32>
    %add3A_82 = arith.constant 9.99999993E-9 : f32
    %add3A_83 = vector.broadcast %add3A_82 : f32 to vector<2048x1xf32>
    %add3A_84 = arith.addf %broadcast_in_dim3A_81, %add3A_83 : vector<2048x1xf32>
    %div3A_85 = arith.constant 1.000000e+00 : f32
    %div3A_86 = vector.broadcast %div3A_85 : f32 to vector<2048x1xf32>
    %div3A_87 = arith.divf %div3A_86, %add3A_84 : vector<2048x1xf32>
    %jit3A_88 = arith.constant 0x7F800000 : f32
    %broadcast_in_dim3A_89 = vector.broadcast %jit3A_88 : f32 to vector<2048x1024xf32>
    %select_n3A_90 = arith.select %eq3A_75, %broadcast_in_dim3A_89, %select_n3A_62 : vector<2048x1024xi1>, vector<2048x1024xf32>
    %reduce_min3A_91 = arith.constant dense<0x7F800000> : vector<2048xf32>
    %reduce_min3A_92 = vector.multi_reduction <minimumf>, %select_n3A_90, %reduce_min3A_91 [1] : vector<2048x1024xf32> to vector<2048xf32>
    %broadcast_in_dim3A_93 = vector.shape_cast %reduce_min3A_92 : vector<2048xf32> to vector<2048x1xf32>
    %le3A_94 = vector.broadcast %broadcast_in_dim3A_93 : vector<2048x1xf32> to vector<2048x1024xf32>
    %le3A_95 = arith.cmpf ole, %select_n3A_90, %le3A_94 : vector<2048x1024xf32>
    %jit3A_96 = arith.constant 1024 : i32
    %broadcast_in_dim3A_97 = vector.broadcast %jit3A_96 : i32 to vector<2048x1024xi32>
    %select_n3A_98 = arith.select %le3A_95, %iota3A, %broadcast_in_dim3A_97 : vector<2048x1024xi1>, vector<2048x1024xi32>
    %reduce_min3A_99 = arith.constant dense<2147483647> : vector<2048xi32>
    %reduce_min3A_100 = vector.multi_reduction <minsi>, %select_n3A_98, %reduce_min3A_99 [1] : vector<2048x1024xi32> to vector<2048xi32>
    %broadcast_in_dim3A_101 = vector.shape_cast %reduce_min3A_100 : vector<2048xi32> to vector<2048x1xi32>
    %eq3A_102 = vector.broadcast %broadcast_in_dim3A_101 : vector<2048x1xi32> to vector<2048x1024xi32>
    %eq3A_103 = arith.cmpi eq, %iota3A, %eq3A_102 : vector<2048x1024xi32>
    %jit3A_104 = arith.constant 0.000000e+00 : f32
    %broadcast_in_dim3A_105 = vector.broadcast %jit3A_104 : f32 to vector<2048x1024xf32>
    %select_n3A_106 = arith.select %eq3A_103, %add3A_39, %broadcast_in_dim3A_105 : vector<2048x1024xi1>, vector<2048x1024xf32>
    %reduce_sum3A_107 = arith.constant dense<0.000000e+00> : vector<2048xf32>
    %reduce_sum3A_108 = vector.multi_reduction <add>, %select_n3A_106, %reduce_sum3A_107 [1] : vector<2048x1024xf32> to vector<2048xf32>
    %broadcast_in_dim3A_109 = vector.shape_cast %reduce_sum3A_108 : vector<2048xf32> to vector<2048x1xf32>
    %add3A_110 = arith.constant 9.99999993E-9 : f32
    %add3A_111 = vector.broadcast %add3A_110 : f32 to vector<2048x1xf32>
    %add3A_112 = arith.addf %broadcast_in_dim3A_109, %add3A_111 : vector<2048x1xf32>
    %div3A_113 = arith.constant 1.000000e+00 : f32
    %div3A_114 = vector.broadcast %div3A_113 : f32 to vector<2048x1xf32>
    %div3A_115 = arith.divf %div3A_114, %add3A_112 : vector<2048x1xf32>
    %add3A_116 = arith.addf %div3A_59, %div3A_87 : vector<2048x1xf32>
    %add3A_117 = arith.addf %add3A_116, %div3A_115 : vector<2048x1xf32>
    %concatenate3A = tpu.concatenate %broadcast_in_dim3A_47, %broadcast_in_dim3A_73, %broadcast_in_dim3A_101 in 1 : vector<2048x1xi32>, vector<2048x1xi32>, vector<2048x1xi32> -> vector<2048x3xi32>
    %mul3A_118 = arith.constant 1024 : i32
    %mul3A_119 = arith.muli %arg0, %mul3A_118 : i32
    %add3A_120 = vector.broadcast %mul3A_119 : i32 to vector<2048x3xi32>
    %add3A_121 = arith.addi %concatenate3A, %add3A_120 : vector<2048x3xi32>
    %swap3A = arith.constant 0 : index
    %swap3A_122 = arith.constant 0 : index
    %swap3A_123 = arith.constant 0 : index
    %swap3A_124 = vector.load %arg4[%swap3A, %swap3A_122, %swap3A_123] : memref<1x2048x3xi32, #tpu.memory_space<vmem>>, vector<1x2048x3xi32>
    %swap3A_125 = vector.shape_cast %swap3A_124 : vector<1x2048x3xi32> to vector<2048x3xi32>
    %swap3A_126 = vector.shape_cast %add3A_121 : vector<2048x3xi32> to vector<1x2048x3xi32>
    tpu.vector_store %arg4[%swap3A, %swap3A_122, %swap3A_123], %swap3A_126 {strides = array<i32>} : memref<1x2048x3xi32, #tpu.memory_space<vmem>>, vector<1x2048x3xi32>,
    %div3A_127 = arith.divf %div3A_59, %add3A_117 : vector<2048x1xf32>
    %div3A_128 = arith.divf %div3A_87, %add3A_117 : vector<2048x1xf32>
    %div3A_129 = arith.divf %div3A_115, %add3A_117 : vector<2048x1xf32>
    %concatenate3A_130 = tpu.concatenate %div3A_127, %div3A_128, %div3A_129 in 1 : vector<2048x1xf32>, vector<2048x1xf32>, vector<2048x1xf32> -> vector<2048x3xf32>
    %swap3A_131 = arith.constant 0 : index
    %swap3A_132 = arith.constant 0 : index
    %swap3A_133 = arith.constant 0 : index
    %swap3A_134 = vector.load %arg5[%swap3A_131, %swap3A_132, %swap3A_133] : memref<1x2048x3xf32, #tpu.memory_space<vmem>>, vector<1x2048x3xf32>
    %swap3A_135 = vector.shape_cast %swap3A_134 : vector<1x2048x3xf32> to vector<2048x3xf32>
    %swap3A_136 = vector.shape_cast %concatenate3A_130 : vector<2048x3xf32> to vector<1x2048x3xf32>
    tpu.vector_store %arg5[%swap3A_131, %swap3A_132, %swap3A_133], %swap3A_136 {strides = array<i32>} : memref<1x2048x3xf32, #tpu.memory_space<vmem>>, vector<1x2048x3xf32>,
    return
  }
  func.func @transform_0(%arg0: i32, %arg1: i32) -> (i32, i32, i32) {
    %c0_i32 = arith.constant 0 : i32
    %c0_i32_0 = arith.constant 0 : i32
    return %arg0, %arg1, %c0_i32 : i32, i32, i32
  }
  func.func @transform_1(%arg0: i32, %arg1: i32) -> (i32, i32, i32) {
    %c0_i32 = arith.constant 0 : i32
    %c0_i32_0 = arith.constant 0 : i32
    %c0_i32_1 = arith.constant 0 : i32
    return %arg0, %c0_i32, %c0_i32_0 : i32, i32, i32
  }
  func.func @transform_2(%arg0: i32, %arg1: i32) -> (i32, i32, i32) {
    %c0_i32 = arith.constant 0 : i32
    %c0_i32_0 = arith.constant 0 : i32
    return %arg0, %arg1, %c0_i32 : i32, i32, i32
  }
  func.func @transform_3(%arg0: i32, %arg1: i32) -> (i32, i32, i32) {
    %c0_i32 = arith.constant 0 : i32
    %c0_i32_0 = arith.constant 0 : i32
    return %arg0, %arg1, %c0_i32 : i32, i32, i32
  }
}

module attributes {stable_mosaic.version = 14 : i64} {
  func.func @_k2_body(%arg0: i32, %arg1: i32, %arg2: memref<1x2048x768xf32, #tpu.memory_space<vmem>>, %arg3: memref<1x2048x3xf32, #tpu.memory_space<vmem>>, %arg4: memref<1x2048x128xf32, #tpu.memory_space<vmem>>, %arg5: memref<256x384xf32, #tpu.memory_space<vmem>>, %arg6: memref<1x2048x256xf32, #tpu.memory_space<vmem>>, %arg7: memref<2x256xf32, #tpu.memory_space<vmem>>) attributes {dimension_semantics = [#tpu.dimension_semantics<arbitrary>, #tpu.dimension_semantics<arbitrary>], iteration_bounds = array<i64: 8, 2>, scalar_prefetch = 0 : i64, scratch_operands = 0 : i64, tpu.core_type = #tpu.core_type<tc>, window_params = [{transform_indices = @transform_0, window_bounds = array<i64: 1, 2048, 768>}, {transform_indices = @transform_1, window_bounds = array<i64: 1, 2048, 3>}, {transform_indices = @transform_2, window_bounds = array<i64: 1, 2048, 128>}, {pipeline_mode = #tpu.pipeline_mode<synchronous>, transform_indices = @transform_3, window_bounds = array<i64: 256, 384>}, {transform_indices = @transform_4, window_bounds = array<i64: 1, 2048, 256>}, {pipeline_mode = #tpu.pipeline_mode<synchronous>, transform_indices = @transform_5, window_bounds = array<i64: 2, 256>}]} {
    %get3A = arith.constant 0 : index
    %get3A_0 = arith.constant 0 : index
    %get3A_1 = arith.constant 0 : index
    %get3A_2 = vector.load %arg2[%get3A, %get3A_0, %get3A_1] : memref<1x2048x768xf32, #tpu.memory_space<vmem>>, vector<1x2048x768xf32>
    %get3A_3 = vector.shape_cast %get3A_2 : vector<1x2048x768xf32> to vector<2048x768xf32>
    %get3A_4 = arith.constant 0 : index
    %get3A_5 = arith.constant 0 : index
    %get3A_6 = arith.constant 0 : index
    %get3A_7 = vector.load %arg3[%get3A_4, %get3A_5, %get3A_6] : memref<1x2048x3xf32, #tpu.memory_space<vmem>>, vector<1x2048x3xf32>
    %get3A_8 = vector.shape_cast %get3A_7 : vector<1x2048x3xf32> to vector<2048x3xf32>
    %slice3A = vector.extract_strided_slice %get3A_8 {offsets = [0, 0], sizes = [2048, 1], strides = [1, 1]} : vector<2048x3xf32> to vector<2048x1xf32>
    %slice3A_9 = vector.extract_strided_slice %get3A_3 {offsets = [0, 0], sizes = [2048, 256], strides = [1, 1]} : vector<2048x768xf32> to vector<2048x256xf32>
    %mul3A = vector.broadcast %slice3A : vector<2048x1xf32> to vector<2048x256xf32>
    %mul3A_10 = arith.mulf %mul3A, %slice3A_9 : vector<2048x256xf32>
    %slice3A_11 = vector.extract_strided_slice %get3A_8 {offsets = [0, 1], sizes = [2048, 1], strides = [1, 1]} : vector<2048x3xf32> to vector<2048x1xf32>
    %slice3A_12 = vector.extract_strided_slice %get3A_3 {offsets = [0, 256], sizes = [2048, 256], strides = [1, 1]} : vector<2048x768xf32> to vector<2048x256xf32>
    %mul3A_13 = vector.broadcast %slice3A_11 : vector<2048x1xf32> to vector<2048x256xf32>
    %mul3A_14 = arith.mulf %mul3A_13, %slice3A_12 : vector<2048x256xf32>
    %add3A = arith.addf %mul3A_10, %mul3A_14 : vector<2048x256xf32>
    %slice3A_15 = vector.extract_strided_slice %get3A_8 {offsets = [0, 2], sizes = [2048, 1], strides = [1, 1]} : vector<2048x3xf32> to vector<2048x1xf32>
    %slice3A_16 = vector.extract_strided_slice %get3A_3 {offsets = [0, 512], sizes = [2048, 256], strides = [1, 1]} : vector<2048x768xf32> to vector<2048x256xf32>
    %mul3A_17 = vector.broadcast %slice3A_15 : vector<2048x1xf32> to vector<2048x256xf32>
    %mul3A_18 = arith.mulf %mul3A_17, %slice3A_16 : vector<2048x256xf32>
    %add3A_19 = arith.addf %add3A, %mul3A_18 : vector<2048x256xf32>
    %get3A_20 = arith.constant 0 : index
    %get3A_21 = arith.constant 0 : index
    %get3A_22 = vector.load %arg5[%get3A_20, %get3A_21] : memref<256x384xf32, #tpu.memory_space<vmem>>, vector<256x256xf32>
    %dot_general3A = arith.constant dense<0.000000e+00> : vector<2048x256xf32>
    %dot_general3A_23 = tpu.matmul %add3A_19, %get3A_22, %dot_general3A {dimension_numbers = #tpu.dot_dimension_numbers<[1], [1], [0], [0], [0, 0, 1, 0], [], []>, transpose_lhs_hint = false} : vector<2048x256xf32>, vector<256x256xf32>, vector<2048x256xf32> -> vector<2048x256xf32>
    %get3A_24 = arith.constant 0 : index
    %get3A_25 = arith.constant 0 : index
    %get3A_26 = arith.constant 0 : index
    %get3A_27 = vector.load %arg4[%get3A_24, %get3A_25, %get3A_26] : memref<1x2048x128xf32, #tpu.memory_space<vmem>>, vector<1x2048x128xf32>
    %get3A_28 = vector.shape_cast %get3A_27 : vector<1x2048x128xf32> to vector<2048x128xf32>
    %get3A_29 = arith.constant 0 : index
    %get3A_30 = arith.constant 256 : index
    %get3A_31 = vector.load %arg5[%get3A_29, %get3A_30] : memref<256x384xf32, #tpu.memory_space<vmem>>, vector<256x128xf32>
    %dot_general3A_32 = arith.constant dense<0.000000e+00> : vector<2048x256xf32>
    %dot_general3A_33 = tpu.matmul %get3A_28, %get3A_31, %dot_general3A_32 {dimension_numbers = #tpu.dot_dimension_numbers<[1], [1], [0], [0], [0, 0, 1, 0], [], []>, transpose_lhs_hint = false} : vector<2048x128xf32>, vector<256x128xf32>, vector<2048x256xf32> -> vector<2048x256xf32>
    %add3A_34 = arith.addf %dot_general3A_23, %dot_general3A_33 : vector<2048x256xf32>
    %swap3A = arith.constant 0 : index
    %swap3A_35 = arith.constant 0 : index
    %swap3A_36 = arith.constant 0 : index
    %swap3A_37 = vector.load %arg6[%swap3A, %swap3A_35, %swap3A_36] : memref<1x2048x256xf32, #tpu.memory_space<vmem>>, vector<1x2048x256xf32>
    %swap3A_38 = vector.shape_cast %swap3A_37 : vector<1x2048x256xf32> to vector<2048x256xf32>
    %swap3A_39 = vector.shape_cast %add3A_34 : vector<2048x256xf32> to vector<1x2048x256xf32>
    tpu.vector_store %arg6[%swap3A, %swap3A_35, %swap3A_36], %swap3A_39 {strides = array<i32>} : memref<1x2048x256xf32, #tpu.memory_space<vmem>>, vector<1x2048x256xf32>,
    %reduce_sum3A = arith.constant dense<0.000000e+00> : vector<256xf32>
    %reduce_sum3A_40 = vector.multi_reduction <add>, %add3A_34, %reduce_sum3A [0] : vector<2048x256xf32> to vector<256xf32>
    %broadcast_in_dim3A = vector.shape_cast %reduce_sum3A_40 : vector<256xf32> to vector<1x256xf32>
    %mul3A_41 = arith.mulf %add3A_34, %add3A_34 : vector<2048x256xf32>
    %reduce_sum3A_42 = arith.constant dense<0.000000e+00> : vector<256xf32>
    %reduce_sum3A_43 = vector.multi_reduction <add>, %mul3A_41, %reduce_sum3A_42 [0] : vector<2048x256xf32> to vector<256xf32>
    %broadcast_in_dim3A_44 = vector.shape_cast %reduce_sum3A_43 : vector<256xf32> to vector<1x256xf32>
    %concatenate3A = tpu.concatenate %broadcast_in_dim3A, %broadcast_in_dim3A_44 in 0 : vector<1x256xf32>, vector<1x256xf32> -> vector<2x256xf32>
    %eq3A = arith.constant 0 : i32
    %eq3A_45 = arith.cmpi eq, %arg0, %eq3A : i32
    %eq3A_46 = arith.constant 0 : i32
    %eq3A_47 = arith.cmpi eq, %arg1, %eq3A_46 : i32
    %and3A = arith.andi %eq3A_45, %eq3A_47 : i1
    %convert_element_type3A = arith.extui %and3A : i1 to i32
    %cond3A = arith.constant 0 : i32
    %cond3A_48 = arith.cmpi ne, %convert_element_type3A, %cond3A : i32
    scf.if %cond3A_48 {
      %swap3A_53 = arith.constant 0 : index
      %swap3A_54 = arith.constant 0 : index
      %swap3A_55 = vector.load %arg7[%swap3A_53, %swap3A_54] : memref<2x256xf32, #tpu.memory_space<vmem>>, vector<2x256xf32>
      tpu.vector_store %arg7[%swap3A_53, %swap3A_54], %concatenate3A {strides = array<i32>} : memref<2x256xf32, #tpu.memory_space<vmem>>, vector<2x256xf32>,
    } else {
    }
    %not3A = arith.constant true
    %not3A_49 = arith.xori %and3A, %not3A : i1
    %convert_element_type3A_50 = arith.extui %not3A_49 : i1 to i32
    %cond3A_51 = arith.constant 0 : i32
    %cond3A_52 = arith.cmpi ne, %convert_element_type3A_50, %cond3A_51 : i32
    scf.if %cond3A_52 {
      %get3A_53 = arith.constant 0 : index
      %get3A_54 = arith.constant 0 : index
      %get3A_55 = vector.load %arg7[%get3A_53, %get3A_54] : memref<2x256xf32, #tpu.memory_space<vmem>>, vector<2x256xf32>
      %add3A_56 = arith.addf %get3A_55, %concatenate3A : vector<2x256xf32>
      %swap3A_57 = arith.constant 0 : index
      %swap3A_58 = arith.constant 0 : index
      %swap3A_59 = vector.load %arg7[%swap3A_57, %swap3A_58] : memref<2x256xf32, #tpu.memory_space<vmem>>, vector<2x256xf32>
      tpu.vector_store %arg7[%swap3A_57, %swap3A_58], %add3A_56 {strides = array<i32>} : memref<2x256xf32, #tpu.memory_space<vmem>>, vector<2x256xf32>,
    } else {
    }
    return
  }
  func.func @transform_0(%arg0: i32, %arg1: i32) -> (i32, i32, i32) {
    %c0_i32 = arith.constant 0 : i32
    %c0_i32_0 = arith.constant 0 : i32
    return %arg0, %arg1, %c0_i32 : i32, i32, i32
  }
  func.func @transform_1(%arg0: i32, %arg1: i32) -> (i32, i32, i32) {
    %c0_i32 = arith.constant 0 : i32
    %c0_i32_0 = arith.constant 0 : i32
    return %arg0, %arg1, %c0_i32 : i32, i32, i32
  }
  func.func @transform_2(%arg0: i32, %arg1: i32) -> (i32, i32, i32) {
    %c0_i32 = arith.constant 0 : i32
    %c0_i32_0 = arith.constant 0 : i32
    return %arg0, %arg1, %c0_i32 : i32, i32, i32
  }
  func.func @transform_3(%arg0: i32, %arg1: i32) -> (i32, i32) {
    %c0_i32 = arith.constant 0 : i32
    %c0_i32_0 = arith.constant 0 : i32
    %c0_i32_1 = arith.constant 0 : i32
    return %c0_i32, %c0_i32_0 : i32, i32
  }
  func.func @transform_4(%arg0: i32, %arg1: i32) -> (i32, i32, i32) {
    %c0_i32 = arith.constant 0 : i32
    %c0_i32_0 = arith.constant 0 : i32
    return %arg0, %arg1, %c0_i32 : i32, i32, i32
  }
  func.func @transform_5(%arg0: i32, %arg1: i32) -> (i32, i32) {
    %c0_i32 = arith.constant 0 : i32
    %c0_i32_0 = arith.constant 0 : i32
    %c0_i32_1 = arith.constant 0 : i32
    return %c0_i32, %c0_i32_0 : i32, i32
  }
}

module attributes {stable_mosaic.version = 14 : i64} {
  func.func @_k3_body(%arg0: i32, %arg1: i32, %arg2: memref<1x2048x256xf32, #tpu.memory_space<vmem>>, %arg3: memref<1x256xf32, #tpu.memory_space<vmem>>, %arg4: memref<1x256xf32, #tpu.memory_space<vmem>>, %arg5: memref<128x256xf32, #tpu.memory_space<vmem>>, %arg6: memref<1x2048x128xf32, #tpu.memory_space<vmem>>, %arg7: memref<2x128xf32, #tpu.memory_space<vmem>>) attributes {dimension_semantics = [#tpu.dimension_semantics<arbitrary>, #tpu.dimension_semantics<arbitrary>], iteration_bounds = array<i64: 8, 2>, scalar_prefetch = 0 : i64, scratch_operands = 0 : i64, tpu.core_type = #tpu.core_type<tc>, window_params = [{transform_indices = @transform_0, window_bounds = array<i64: 1, 2048, 256>}, {pipeline_mode = #tpu.pipeline_mode<synchronous>, transform_indices = @transform_1, window_bounds = array<i64: 1, 256>}, {pipeline_mode = #tpu.pipeline_mode<synchronous>, transform_indices = @transform_2, window_bounds = array<i64: 1, 256>}, {pipeline_mode = #tpu.pipeline_mode<synchronous>, transform_indices = @transform_3, window_bounds = array<i64: 128, 256>}, {transform_indices = @transform_4, window_bounds = array<i64: 1, 2048, 128>}, {pipeline_mode = #tpu.pipeline_mode<synchronous>, transform_indices = @transform_5, window_bounds = array<i64: 2, 128>}]} {
    %get3A = arith.constant 0 : index
    %get3A_0 = arith.constant 0 : index
    %get3A_1 = arith.constant 0 : index
    %get3A_2 = vector.load %arg2[%get3A, %get3A_0, %get3A_1] : memref<1x2048x256xf32, #tpu.memory_space<vmem>>, vector<1x2048x256xf32>
    %get3A_3 = vector.shape_cast %get3A_2 : vector<1x2048x256xf32> to vector<2048x256xf32>
    %get3A_4 = arith.constant 0 : index
    %get3A_5 = arith.constant 0 : index
    %get3A_6 = vector.load %arg3[%get3A_4, %get3A_5] : memref<1x256xf32, #tpu.memory_space<vmem>>, vector<1x256xf32>
    %mul3A = vector.broadcast %get3A_6 : vector<1x256xf32> to vector<2048x256xf32>
    %mul3A_7 = arith.mulf %get3A_3, %mul3A : vector<2048x256xf32>
    %get3A_8 = arith.constant 0 : index
    %get3A_9 = arith.constant 0 : index
    %get3A_10 = vector.load %arg4[%get3A_8, %get3A_9] : memref<1x256xf32, #tpu.memory_space<vmem>>, vector<1x256xf32>
    %add3A = vector.broadcast %get3A_10 : vector<1x256xf32> to vector<2048x256xf32>
    %add3A_11 = arith.addf %mul3A_7, %add3A : vector<2048x256xf32>
    %max3A = arith.constant 0.000000e+00 : f32
    %max3A_12 = vector.broadcast %max3A : f32 to vector<2048x256xf32>
    %max3A_13 = arith.maximumf %add3A_11, %max3A_12 : vector<2048x256xf32>
    %get3A_14 = arith.constant 0 : index
    %get3A_15 = arith.constant 0 : index
    %get3A_16 = vector.load %arg5[%get3A_14, %get3A_15] : memref<128x256xf32, #tpu.memory_space<vmem>>, vector<128x256xf32>
    %dot_general3A = arith.constant dense<0.000000e+00> : vector<2048x128xf32>
    %dot_general3A_17 = tpu.matmul %max3A_13, %get3A_16, %dot_general3A {dimension_numbers = #tpu.dot_dimension_numbers<[1], [1], [0], [0], [0, 0, 1, 0], [], []>, transpose_lhs_hint = false} : vector<2048x256xf32>, vector<128x256xf32>, vector<2048x128xf32> -> vector<2048x128xf32>
    %swap3A = arith.constant 0 : index
    %swap3A_18 = arith.constant 0 : index
    %swap3A_19 = arith.constant 0 : index
    %swap3A_20 = vector.load %arg6[%swap3A, %swap3A_18, %swap3A_19] : memref<1x2048x128xf32, #tpu.memory_space<vmem>>, vector<1x2048x128xf32>
    %swap3A_21 = vector.shape_cast %swap3A_20 : vector<1x2048x128xf32> to vector<2048x128xf32>
    %swap3A_22 = vector.shape_cast %dot_general3A_17 : vector<2048x128xf32> to vector<1x2048x128xf32>
    tpu.vector_store %arg6[%swap3A, %swap3A_18, %swap3A_19], %swap3A_22 {strides = array<i32>} : memref<1x2048x128xf32, #tpu.memory_space<vmem>>, vector<1x2048x128xf32>,
    %reduce_sum3A = arith.constant dense<0.000000e+00> : vector<128xf32>
    %reduce_sum3A_23 = vector.multi_reduction <add>, %dot_general3A_17, %reduce_sum3A [0] : vector<2048x128xf32> to vector<128xf32>
    %broadcast_in_dim3A = vector.shape_cast %reduce_sum3A_23 : vector<128xf32> to vector<1x128xf32>
    %mul3A_24 = arith.mulf %dot_general3A_17, %dot_general3A_17 : vector<2048x128xf32>
    %reduce_sum3A_25 = arith.constant dense<0.000000e+00> : vector<128xf32>
    %reduce_sum3A_26 = vector.multi_reduction <add>, %mul3A_24, %reduce_sum3A_25 [0] : vector<2048x128xf32> to vector<128xf32>
    %broadcast_in_dim3A_27 = vector.shape_cast %reduce_sum3A_26 : vector<128xf32> to vector<1x128xf32>
    %concatenate3A = tpu.concatenate %broadcast_in_dim3A, %broadcast_in_dim3A_27 in 0 : vector<1x128xf32>, vector<1x128xf32> -> vector<2x128xf32>
    %eq3A = arith.constant 0 : i32
    %eq3A_28 = arith.cmpi eq, %arg0, %eq3A : i32
    %eq3A_29 = arith.constant 0 : i32
    %eq3A_30 = arith.cmpi eq, %arg1, %eq3A_29 : i32
    %and3A = arith.andi %eq3A_28, %eq3A_30 : i1
    %convert_element_type3A = arith.extui %and3A : i1 to i32
    %cond3A = arith.constant 0 : i32
    %cond3A_31 = arith.cmpi ne, %convert_element_type3A, %cond3A : i32
    scf.if %cond3A_31 {
      %swap3A_36 = arith.constant 0 : index
      %swap3A_37 = arith.constant 0 : index
      %swap3A_38 = vector.load %arg7[%swap3A_36, %swap3A_37] : memref<2x128xf32, #tpu.memory_space<vmem>>, vector<2x128xf32>
      tpu.vector_store %arg7[%swap3A_36, %swap3A_37], %concatenate3A {strides = array<i32>} : memref<2x128xf32, #tpu.memory_space<vmem>>, vector<2x128xf32>,
    } else {
    }
    %not3A = arith.constant true
    %not3A_32 = arith.xori %and3A, %not3A : i1
    %convert_element_type3A_33 = arith.extui %not3A_32 : i1 to i32
    %cond3A_34 = arith.constant 0 : i32
    %cond3A_35 = arith.cmpi ne, %convert_element_type3A_33, %cond3A_34 : i32
    scf.if %cond3A_35 {
      %get3A_36 = arith.constant 0 : index
      %get3A_37 = arith.constant 0 : index
      %get3A_38 = vector.load %arg7[%get3A_36, %get3A_37] : memref<2x128xf32, #tpu.memory_space<vmem>>, vector<2x128xf32>
      %add3A_39 = arith.addf %get3A_38, %concatenate3A : vector<2x128xf32>
      %swap3A_40 = arith.constant 0 : index
      %swap3A_41 = arith.constant 0 : index
      %swap3A_42 = vector.load %arg7[%swap3A_40, %swap3A_41] : memref<2x128xf32, #tpu.memory_space<vmem>>, vector<2x128xf32>
      tpu.vector_store %arg7[%swap3A_40, %swap3A_41], %add3A_39 {strides = array<i32>} : memref<2x128xf32, #tpu.memory_space<vmem>>, vector<2x128xf32>,
    } else {
    }
    return
  }
  func.func @transform_0(%arg0: i32, %arg1: i32) -> (i32, i32, i32) {
    %c0_i32 = arith.constant 0 : i32
    %c0_i32_0 = arith.constant 0 : i32
    return %arg0, %arg1, %c0_i32 : i32, i32, i32
  }
  func.func @transform_1(%arg0: i32, %arg1: i32) -> (i32, i32) {
    %c0_i32 = arith.constant 0 : i32
    %c0_i32_0 = arith.constant 0 : i32
    %c0_i32_1 = arith.constant 0 : i32
    return %c0_i32, %c0_i32_0 : i32, i32
  }
  func.func @transform_2(%arg0: i32, %arg1: i32) -> (i32, i32) {
    %c0_i32 = arith.constant 0 : i32
    %c0_i32_0 = arith.constant 0 : i32
    %c0_i32_1 = arith.constant 0 : i32
    return %c0_i32, %c0_i32_0 : i32, i32
  }
  func.func @transform_3(%arg0: i32, %arg1: i32) -> (i32, i32) {
    %c0_i32 = arith.constant 0 : i32
    %c0_i32_0 = arith.constant 0 : i32
    %c0_i32_1 = arith.constant 0 : i32
    return %c0_i32, %c0_i32_0 : i32, i32
  }
  func.func @transform_4(%arg0: i32, %arg1: i32) -> (i32, i32, i32) {
    %c0_i32 = arith.constant 0 : i32
    %c0_i32_0 = arith.constant 0 : i32
    return %arg0, %arg1, %c0_i32 : i32, i32, i32
  }
  func.func @transform_5(%arg0: i32, %arg1: i32) -> (i32, i32) {
    %c0_i32 = arith.constant 0 : i32
    %c0_i32_0 = arith.constant 0 : i32
    %c0_i32_1 = arith.constant 0 : i32
    return %c0_i32, %c0_i32_0 : i32, i32
  }
}

module attributes {stable_mosaic.version = 14 : i64} {
  func.func @_k4_body(%arg0: i32, %arg1: i32, %arg2: memref<1x2048x128xf32, #tpu.memory_space<vmem>>, %arg3: memref<1x128xf32, #tpu.memory_space<vmem>>, %arg4: memref<1x128xf32, #tpu.memory_space<vmem>>, %arg5: memref<1x2048x128xf32, #tpu.memory_space<vmem>>) attributes {dimension_semantics = [#tpu.dimension_semantics<arbitrary>, #tpu.dimension_semantics<arbitrary>], iteration_bounds = array<i64: 8, 2>, scalar_prefetch = 0 : i64, scratch_operands = 0 : i64, tpu.core_type = #tpu.core_type<tc>, window_params = [{transform_indices = @transform_0, window_bounds = array<i64: 1, 2048, 128>}, {pipeline_mode = #tpu.pipeline_mode<synchronous>, transform_indices = @transform_1, window_bounds = array<i64: 1, 128>}, {pipeline_mode = #tpu.pipeline_mode<synchronous>, transform_indices = @transform_2, window_bounds = array<i64: 1, 128>}, {transform_indices = @transform_3, window_bounds = array<i64: 1, 2048, 128>}]} {
    %get3A = arith.constant 0 : index
    %get3A_0 = arith.constant 0 : index
    %get3A_1 = arith.constant 0 : index
    %get3A_2 = vector.load %arg2[%get3A, %get3A_0, %get3A_1] : memref<1x2048x128xf32, #tpu.memory_space<vmem>>, vector<1x2048x128xf32>
    %get3A_3 = vector.shape_cast %get3A_2 : vector<1x2048x128xf32> to vector<2048x128xf32>
    %get3A_4 = arith.constant 0 : index
    %get3A_5 = arith.constant 0 : index
    %get3A_6 = vector.load %arg3[%get3A_4, %get3A_5] : memref<1x128xf32, #tpu.memory_space<vmem>>, vector<1x128xf32>
    %mul3A = vector.broadcast %get3A_6 : vector<1x128xf32> to vector<2048x128xf32>
    %mul3A_7 = arith.mulf %get3A_3, %mul3A : vector<2048x128xf32>
    %get3A_8 = arith.constant 0 : index
    %get3A_9 = arith.constant 0 : index
    %get3A_10 = vector.load %arg4[%get3A_8, %get3A_9] : memref<1x128xf32, #tpu.memory_space<vmem>>, vector<1x128xf32>
    %add3A = vector.broadcast %get3A_10 : vector<1x128xf32> to vector<2048x128xf32>
    %add3A_11 = arith.addf %mul3A_7, %add3A : vector<2048x128xf32>
    %max3A = arith.constant 0.000000e+00 : f32
    %max3A_12 = vector.broadcast %max3A : f32 to vector<2048x128xf32>
    %max3A_13 = arith.maximumf %add3A_11, %max3A_12 : vector<2048x128xf32>
    %swap3A = arith.constant 0 : index
    %swap3A_14 = arith.constant 0 : index
    %swap3A_15 = arith.constant 0 : index
    %swap3A_16 = vector.load %arg5[%swap3A, %swap3A_14, %swap3A_15] : memref<1x2048x128xf32, #tpu.memory_space<vmem>>, vector<1x2048x128xf32>
    %swap3A_17 = vector.shape_cast %swap3A_16 : vector<1x2048x128xf32> to vector<2048x128xf32>
    %swap3A_18 = vector.shape_cast %max3A_13 : vector<2048x128xf32> to vector<1x2048x128xf32>
    tpu.vector_store %arg5[%swap3A, %swap3A_14, %swap3A_15], %swap3A_18 {strides = array<i32>} : memref<1x2048x128xf32, #tpu.memory_space<vmem>>, vector<1x2048x128xf32>,
    return
  }
  func.func @transform_0(%arg0: i32, %arg1: i32) -> (i32, i32, i32) {
    %c0_i32 = arith.constant 0 : i32
    %c0_i32_0 = arith.constant 0 : i32
    return %arg0, %arg1, %c0_i32 : i32, i32, i32
  }
  func.func @transform_1(%arg0: i32, %arg1: i32) -> (i32, i32) {
    %c0_i32 = arith.constant 0 : i32
    %c0_i32_0 = arith.constant 0 : i32
    %c0_i32_1 = arith.constant 0 : i32
    return %c0_i32, %c0_i32_0 : i32, i32
  }
  func.func @transform_2(%arg0: i32, %arg1: i32) -> (i32, i32) {
    %c0_i32 = arith.constant 0 : i32
    %c0_i32_0 = arith.constant 0 : i32
    %c0_i32_1 = arith.constant 0 : i32
    return %c0_i32, %c0_i32_0 : i32, i32
  }
  func.func @transform_3(%arg0: i32, %arg1: i32) -> (i32, i32, i32) {
    %c0_i32 = arith.constant 0 : i32
    %c0_i32_0 = arith.constant 0 : i32
    return %arg0, %arg1, %c0_i32 : i32, i32, i32
  }
}

</mosaic_0001>

<sc_bundles>
// kernel: kernel.7.cloned.1.call-start
scs
__scs_entry_jumppad:
0x0: {  	(pc) =	sbr.rel $0x88, $3  }
0x1: {  	(tag) =	ssettag $0x0;
	lr =	simm.s32 $0x1  }
0x2: {  	[smem:$0x3F97] =	sst lr;
	_ =	strace $0xD0000000  }
0x3: {  	_ = 	snop  }
0x4: {  	_ = 	snop  }
0x5: {  	_ = 	snop  }
0x6: {  	_ = 	snop  }
0x7: {  	_ = 	snop  }
__scs_overlays_trampoline_lowered:
0x8: {  	[smem:$0x3FA6] =	sst s0  }
0x9: {  	[smem:$0x3FA7] =	sst s1  }
0xa: {  	[smem:$0x3FA8] =	sst s2  }
0xb: {  	[smem:$0x3FA9] =	sst s3  }
0xc: {  	[smem:$0x3FAA] =	sst s4  }
0xd: {  	[smem:$0x3FAB] =	sst s5  }
0xe: {  	[smem:$0x3FAC] =	sst s6  }
0xf: {  	[smem:$0x3FAD] =	sst s7  }
0x10: {  	[smem:$0x3FAE] =	sst s8  }
0x11: {  	[smem:$0x3FAF] =	sst s9;
	s0 =	simm.s32 @!p0 $0x0  }
0x12: {  	s1 =	sld [smem:$0x3F95];
	s0 =	simm.s32 @p0 $0x1  }
0x13: {  	[smem:$0x3FB0] =	sst s0;
	s0 =	simm.s32 @!p1 $0x0  }
0x14: {  	s2 =	sld [smem:$0x3F94];
	s0 =	simm.s32 @p1 $0x1  }
0x15: {  	[smem:$0x3FB1] =	sst s0;
	s0 =	simm.s32 @!p2 $0x0  }
0x16: {  	s3 =	sld [smem:$0x3FDB];
	s0 =	simm.s32 @p2 $0x1  }
0x17: {  	s4 =	simm.s32 $0x1BF5;
	[smem:$0x3FB3] =	sst s0  }
0x18: {  	s0 =	sld [smem:$0x3F96];
	_ =	swait.ge [sflag:s4], $0x0  }
0x19: {  	s7 =	sld [smem:$0x3F97]  }
0x1a: {  	s8 =	sadd.s32 $0xFFFFE003, lr  }
0x1b: {  	s9 =	sadd.s32 $0xFFFFFEF7, lr;
	s5 =	simm.s32 $0xFFFFFFFF;
	p2 =	slt.u32 s8, $0xFFFFF086  }
0x1c: {  	p1 =	slt.u32 s9, $0xF7A;
	s5 =	simm.s32 @!p2 $0x0  }
0x1d: {  	s5 =	simm.s32 @p1 $0x1;
	p0 =	seq.s32 s7, s2  }
0x1e: {  	s7 =	smul.u32 @!p0 $0xF7A, s2;
	p2 =	seq.s32 @!p0 s5, $0x0  }
0x1f: {  	s9 =	smul.u32 $0xF7A, s1;
	s8 =	simm.s32 @!p0 $0x1BF5;
	p2 =	por !p2, p0  }
0x20: {  	[sflag:s8] =	ssyncset.s32 @!p0 $0xFFFFF086;
	s6 =	sadd.s32 @!p0 s3, s7;
	s7 =	simm.s32 @!p0 $0x108  }
0x21: {  	s3 =	sadd.s32 s3, s9;
	s6 =	sadd.s32 @!p0 $0x88, s6;
	s7 =	simm.s32 @p2 $0x1082  }
0x22: {  	[simem:s7], [sflag:s8] =	dma.local @!p0 [hbm:s6], $0xF7A  }
0x23: {  	s9 =	sor.u32 $0xD0000000, s2;
	s6 =	simm.s32 $0x108;
	_ =	swait.ge @!p0 [sflag:s8], $0x0  }
0x24: {  	s3 =	sadd.s32 $0x88, s3;
	s6 =	simm.s32 @!p1 $0x1082;
	[sflag:s4] =	ssyncset.s32 $0xFFFFF086  }
0x25: {  	[simem:s6], [sflag:s4] =	dma.local [hbm:s3], $0xF7A  }
0x26: {  	[smem:$0x3F97] =	sst s1;
	(tag) =	ssettag s2;
	_ =	strace s9  }
0x27: {  	s1 =	sld [smem:$0x3FA7]  }
0x28: {  	s2 =	sld [smem:$0x3FA8]  }
0x29: {  	s4 =	sld [smem:$0x3FAA]  }
0x2a: {  	p0 =	seq.s32 s5, $0x0;
	s5 =	sld [smem:$0x3FAB]  }
0x2b: {  	s6 =	sld [smem:$0x3FAC]  }
0x2c: {  	s7 =	sld [smem:$0x3FAD]  }
0x2d: {  	s3 =	simm.s32 $0x108;
	s8 =	sld [smem:$0x3FAE]  }
0x2e: {  	s3 =	simm.s32 @!p0 $0x1082;
	s9 =	sld [smem:$0x3FAF]  }
0x2f: {  	lr =	sadd.s32 s0, s3;
	s0 =	sld [smem:$0x3FA6]  }
0x30: {  	s3 =	sld [smem:$0x3FA9]  }
0x31: {  	[smem:$0x3FB2] =	sst s10  }
0x32: {  	s10 =	sld [smem:$0x3FB0];
	_ =	sdelay $0x3  }
0x33: {  	p0 =	seq.s32 s10, $0x1;
	s10 =	sld [smem:$0x3FB2];
	_ =	sdelay $0x3  }
0x34: {  	[smem:$0x3FB2] =	sst s10  }
0x35: {  	s10 =	sld [smem:$0x3FB1];
	_ =	sdelay $0x3  }
0x36: {  	p1 =	seq.s32 s10, $0x1;
	s10 =	sld [smem:$0x3FB2];
	_ =	sdelay $0x3  }
0x37: {  	[smem:$0x3FB2] =	sst s10  }
0x38: {  	s10 =	sld [smem:$0x3FB3]  }
0x39: {  	_ = 	snop;
	(pc) =	sbr.ind lr, $3  }
0x3a: {  	_ = 	snop  }
0x3b: {  	_ = 	snop  }
0x3c: {  	p2 =	seq.s32 s10, $0x1;
	s10 =	sld [smem:$0x3FB2]  }
0x3d: {  	_ =	shalt  }
0x3e: {  	_ =	shalt  }
0x3f: {  	_ =	shalt  }
0x40: {  	_ =	shalt  }
0x41: {  	_ =	shalt  }
0x42: {  	_ =	shalt  }
0x43: {  	_ =	shalt  }
0x44: {  	_ =	shalt  }
0x45: {  	_ =	shalt  }
0x46: {  	_ =	shalt  }
0x47: {  	_ =	shalt  }
0x48: {  	_ =	shalt  }
0x49: {  	_ =	shalt  }
0x4a: {  	_ =	shalt  }
0x4b: {  	_ =	shalt  }
0x4c: {  	_ =	shalt  }
0x4d: {  	_ =	shalt  }
0x4e: {  	_ =	shalt  }
0x4f: {  	_ =	shalt  }
0x50: {  	_ =	shalt  }
0x51: {  	_ =	shalt  }
0x52: {  	_ =	shalt  }
0x53: {  	_ =	shalt  }
0x54: {  	_ =	shalt  }
0x55: {  	_ =	shalt  }
0x56: {  	_ =	shalt  }
0x57: {  	_ =	shalt  }
0x58: {  	_ =	shalt  }
0x59: {  	_ =	shalt  }
0x5a: {  	_ =	shalt  }
0x5b: {  	_ =	shalt  }
0x5c: {  	_ =	shalt  }
0x5d: {  	_ =	shalt  }
0x5e: {  	_ =	shalt  }
0x5f: {  	_ =	shalt  }
0x60: {  	_ =	shalt  }
0x61: {  	_ =	shalt  }
0x62: {  	_ =	shalt  }
0x63: {  	_ =	shalt  }
0x64: {  	_ =	shalt  }
0x65: {  	_ =	shalt  }
0x66: {  	_ =	shalt  }
0x67: {  	_ =	shalt  }
0x68: {  	_ =	shalt  }
0x69: {  	_ =	shalt  }
0x6a: {  	_ =	shalt  }
0x6b: {  	_ =	shalt  }
0x6c: {  	_ =	shalt  }
0x6d: {  	_ =	shalt  }
0x6e: {  	_ =	shalt  }
0x6f: {  	_ =	shalt  }
0x70: {  	_ =	shalt  }
0x71: {  	_ =	shalt  }
0x72: {  	_ =	shalt  }
0x73: {  	_ =	shalt  }
0x74: {  	_ =	shalt  }
0x75: {  	_ =	shalt  }
0x76: {  	_ =	shalt  }
0x77: {  	_ =	shalt  }
0x78: {  	_ =	shalt  }
0x79: {  	_ =	shalt  }
0x7a: {  	_ =	shalt  }
0x7b: {  	_ =	shalt  }
0x7c: {  	_ =	shalt  }
0x7d: {  	_ =	shalt  }
0x7e: {  	_ =	shalt  }
0x7f: {  	_ =	shalt  }
0x80: {  	_ =	shalt  }
0x81: {  	_ =	shalt  }
0x82: {  	_ =	shalt  }
0x83: {  	_ =	shalt  }
0x84: {  	_ =	shalt  }
0x85: {  	_ =	shalt  }
0x86: {  	_ =	shalt  }
0x87: {  	_ =	shalt  }
.Lfunc_end0:
.L_simem_size_0:
called_computation_lowered:
.L_overlay_start_0:
0x88: {  	s2 =	sld [smem:$0x3FD9]  }
0x89: {  	s3 =	sld [smem:$0x3FFE];
	_ =	sdelay $0x1  }
0x8a: {  	s1 =	srdreg.scid  }
0x8b: {  	s0 =	sand.u32 $0x1, s1  }
0x8c: {  	s17 =	sshll.u32 s0, $0xA;
	s2 =	sadd.s32 s3, s2  }
0x8d: {  	s2 =	sadd.s32 s2, s17  }
0x8e: {  	[smem:$0x3FBE] =	sst s2  }
0x8f: {  	_ = 	snop  }
0x90: {  	s2 =	sld [smem:$0x3FC7]  }
0x91: {  	s18 =	sld [smem:$0x3FD0];
	(tm) =	ssettm $0x1  }
0x92: {  	s4 =	sld [smem:$0x3FFB];
	_ =	sdelay $0x3  }
0x93: {  	_ =	strace s4  }
0x94: {  	s4 =	sld [smem:$0x3FFC];
	_ =	sdelay $0x3  }
0x95: {  	_ =	strace s4  }
0x96: {  	s4 =	sld [smem:$0x3FFD];
	_ =	sdelay $0x3  }
0x97: {  	_ =	strace s4  }
0x98: {  	_ =	strace $0x8FFFFFFF  }
0x99: {  	s19 =	sld [smem:$0x3FDB];
	_ =	sdelay $0x1  }
0x9a: {  	s5 =	simm.s32 $_scs_section_size  }
0x9b: {  	s6 =	simm.s32 $_size__tile_overlayer_lowered;
	s7 =	simm.s32 $_tile_overlayer_lowered  }
0x9c: {  	s22 =	simm.s32 $0x1BFF;
	s21 =	sshll.u32 s7, $0x1;
	s4 =	sadd.s32 s5, s19  }
0x9d: {  	s8 =	simm.s32 $0x0;
	s20 =	sshll.u32 s6, $0x1;
	s6 =	sadd.s32 s21, s4  }
0x9e: {  	[timem:s8], [sflag:s22] =	dma.local [hbm:s6], s20  }
0x9f: {  	_ =	swait.ge [sflag:s22], s20  }
0xa0: {  	s5 =	ssub.s32 $0x0, s20;
	[sflag:s22] =	ssyncset.done $0x0  }
0xa1: {  	[sflag:s22] =	ssyncadd.s32 s5;
	_ =	sdelay $0x1  }
0xa2: {  	s23 =	simm.s32 $0x1B8B  }
0xa3: {  	_ =	swait.ge [sflag:s23], $0x1  }
0xa4: {  	[sflag:s23] =	ssyncset.done $0x0  }
0xa5: {  	s25 =	simm.s32 $0x1B8E;
	s24 =	sld [smem:$0x3FFE];
	[sflag:s23] =	ssyncadd.s32 $0xFFFFFFFF  }
0xa6: {  	s26 =	simm.s32 $execute0_lowered;
	[smem:$0x3FD2] =	sst s25  }
0xa7: {  	s6 =	sshll.u32 s26, $0x1;
	_ =	strace $0x80000046;
	[dreg:$0x1] =	wrdreg $0xFFFFFFFF  }
0xa8: {  	s28 =	simm.s32 $_size_execute0_lowered;
	s4 =	sadd.s32 s4, s6;
	[dreg:$0x0] =	wrdreg $0x0  }
0xa9: {  	s6 =	sshll.u32 s28, $0x1;
	[dreg:$0x2] =	wrdreg s4  }
0xaa: {  	[dreg:$0x3] =	wrdreg s6  }
0xab: {  	[dreg:$0x4] =	wrdreg $0xC0  }
0xac: {  	_ =	task [dreg:s8], $0x5FFFF  }
0xad: {  	[dreg:$0x1] =	wrdreg $0xFFFFFFFF  }
0xae: {  	[dreg:$0x0] =	wrdreg $0x60  }
0xaf: {  	[dreg:$0x2] =	wrdreg s18  }
0xb0: {  	[dreg:$0x3] =	wrdreg s2  }
0xb1: {  	[dreg:$0x4] =	wrdreg s24  }
0xb2: {  	[dreg:$0x5] =	wrdreg $0x9  }
0xb3: {  	_ =	task.clear_ibuf [dreg:s8], $0x6FFFF;
	_ =	strace $0x90000046  }
0xb4: {  	s29 =	simm.s32 $0x9;
	_ =	strace $0x80000048  }
0xb5: {  	_ =	swait.ge [sflag:s29], $0x1  }
0xb6: {  	[sflag:s29] =	ssyncadd.s32 $0xFFFFFFFF  }
0xb7: {  	_ =	strace $0x90000048  }
0xb8: {  	_ =	sfence  }
0xb9: {  	s30 =	sld [smem:$0x0];
	_ =	sdelay $0x2  }
0xba: {  	s31 =	sshll.u32 s1, $0xD;
	s1 =	sshrl.u32 s1, $0x2  }
0xbb: {  	s3 =	sand.u32 $0x4000, s31;
	s1 =	sadd.s32 s1, s30  }
0xbc: {  	s0 =	sor.u32 s3, s0;
	s1 =	sshll.u32 s1, $0x11  }
0xbd: {  	s0 =	sor.u32 s1, s0  }
0xbe: {  	s0 =	sadd.s32 $0x8F2B, s0  }
0xbf: {  	[sflag:s0] =	ssyncadd.remote.s32 $0x1  }
0xc0: {  	_ =	sfence.sel $0xFFFF  }
0xc1: {  	[dreg:$0x0] =	wrdreg $0xFFFFFFFF;
	(pc) =	sbr.abs _section_cstart, $3  }
0xc2: {  	[dreg:$0x1] =	wrdreg $0xFFFFFFFF  }
0xc3: {  	_ =	task.clear_ibuf [dreg:s8], $0x2FFFF;
	_ =	strace $0x9FFFFFFF  }
0xc4: {  	(tm) =	ssettm $0x7FFFFFFF  }
0xc5: {  	_ =	shalt  }
tec
execute0_lowered:
.L_overlay_start_1:
0x0: {  	(tag) =	ssettag $0x1  }
0x1: {  	s0 =	rddreg [dreg:$0x0]  }
0x2: {  	s1 =	rddreg [dreg:$0x1]  }
0x3: {  	s2 =	rddreg [dreg:$0x2];
	s3 =	simm.s32 $0x0;
	s4 =	srdreg.scid  }
0x4: {  	s7 =	stileid.u32;
	s12 =	simm.s32 $0x3000;
	s13 =	simm.s32 $0x3800  }
0x5: {  	s14 =	simm.s32 $0x4000;
	s15 =	simm.s32 $0x4800;
	s16 =	simm.s32 $0x5000  }
0x6: {  	s17 =	simm.s32 $0x5800;
	s18 =	simm.s32 $0x6000;
	s19 =	simm.s32 $0x6800  }
0x7: {  	s20 =	simm.s32 $0x7000;
	s21 =	simm.s32 $0x7800;
	s22 =	simm.s32 $0x8000  }
0x8: {  	s23 =	simm.s32 $0x8800;
	s28 =	simm.s32 $0xA800;
	s29 =	simm.s32 $0xB000  }
0x9: {  	s30 =	simm.s32 $0xB800;
	s31 =	simm.s32 $0xC000;
	s9 =	simm.s32 $0x0  }
0xa: {  	[smem:$0x7FF] =	sst s3;
	s4 =	sand.u32 $0x1, s4;
	s5 =	smul.u32 $0x30000, s7  }
0xb: {  	s7 =	sshll.u32 s7, $0xA;
	_ =	strace $0x80000047;
	s6 =	ssub.s32 $0x2, s4  }
0xc: {  	s8 =	sshll.u32 s4, $0x9;
	s4 =	smul.u32 $0x18000, s4;
	s2 =	sadd.s32 s5, s2  }
0xd: {  	s24 =	sshrl.u32 s6, $0x1;
	s7 =	sor.u32 s8, s7;
	s8 =	simm.s32 $0x1000  }
.Ltmp0:
0xe: {  	s5 =	ssub.s32 s6, s24;
	s0 =	sadd.s32 s0, s7;
	(pc) =	sbr.rel .LBB2_1-.Ltmp0, $4  }
0xf: {  	s25 =	sadd.s32 s4, s2;
	s7 =	simm.s32 $0x3;
	s24 =	simm.s32 $0x9000  }
0x10: {  	v2 =	vlaneseq.u32;
	s2 =	simm.s32 $0x1;
	s4 =	simm.s32 $0x2;
	[dreg:$0x4] =	wrdreg s0  }
0x11: {  	vm0 =	vmmov $0xffff;
	v1 =	vshrl.u32 v2, $0x3;
	s26 =	smax.u32 s5, $0x1;
	s6 =	sadd.s32 $0x82200, s25;
	s25 =	simm.s32 $0x9800  }
0x12: {  	v0 =	vand.u32 $0x7, v2;
	v2 =	vor.u32 $0x8, v2;
	v1 =	vmul.u32 $0x8, v1;
	s0 =	simm.s32 $0xC800;
	[dreg:$0x5] =	wrdreg s26;
	s26 =	simm.s32 $0xA000  }
.LBB2_6:
0x13: {  	s9 =	rddreg [dreg:$0x6]  }
0x14: {  	s5 =	rddreg [dreg:$0x5];
	s9 =	sadd.s32 $0x1, s9  }
0x15: {  	p0 =	sne.s32 s9, s5  }
.Ltmp1:
0x16: {  	_ = 	snop;
	(pc) =	sbr.rel @!p0 .LBB2_7-.Ltmp1, $1  }
0x17: {  	_ =	sdelay $0x3  }
.LBB2_1:
0x18: {  	[dreg:$0x6] =	wrdreg s9  }
0x19: {  	s5 =	rddreg [dreg:$0x4]  }
0x1a: {  	[tilespmem:s3], [sflag:$0x3] =	stream.linear.gather [hbm4b:s5+s3], $0x1000, $0x38;
	[tilespmem:$0xD000] =	vst v63  }
0x1b: {  	_ =	swait.ge [sflag:s7], $0x1000  }
0x1c: {  	[sflag:s7] =	ssyncset.done $0x0  }
0x1d: {  	[sflag:s7] =	ssyncadd.s32 $0xFFFFF000  }
0x1e: {  	v3 =	vld [tilespmem:$0x0];
	_ =	sdelay $0x4  }
0x1f: {  	v4 =	vshll.u32 v3, $0x1  }
0x20: {  	v3 =	vand.u32 $0x7, v3;
	v4 =	vand.u32 $0xFFFFFFF0, v4  }
0x21: {  	v3 =	vor.u32 v3, v4  }
0x22: {  	v4 =	vperm.xlane v3, v0;
	_ =	sdelay $0x1  }
0x23: {  	v3 =	vperm.xlane v3, v2;
	v4 =	vadd.s32 v1, v4;
	_ =	sdelay $0x1  }
0x24: {  	v3 =	vadd.s32 v1, v3;
	_ =	sdelay $0x2  }
0x25: {  	[tilespmem:s8], [sflag:$0x1] =	stream.indirect_vreg.gather [hbm4b:s1+s3], $0x80, v4, vm0, $0xb8;
	[tilespmem:$0xD000] =	vst v63  }
0x26: {  	s9 =	simm.s32 $0x1800  }
0x27: {  	[tilespmem:s9], [sflag:$0x1] =	stream.indirect_vreg.gather [hbm4b:s1+s3], $0x80, v3, vm0, $0xb8;
	[tilespmem:$0xD000] =	vst v63  }
0x28: {  	v3 =	vld [tilespmem:$0x10];
	_ =	sdelay $0x4  }
0x29: {  	v53 =	vshll.u32 v3, $0x1  }
0x2a: {  	v3 =	vand.u32 $0x7, v3;
	v4 =	vand.u32 $0xFFFFFFF0, v53  }
0x2b: {  	v3 =	vor.u32 v3, v4  }
0x2c: {  	v4 =	vperm.xlane v3, v0;
	_ =	sdelay $0x1  }
0x2d: {  	v3 =	vperm.xlane v3, v2;
	v4 =	vadd.s32 v1, v4;
	_ =	sdelay $0x1  }
0x2e: {  	v3 =	vadd.s32 v1, v3;
	_ =	sdelay $0x1  }
0x2f: {  	s10 =	simm.s32 $0x2000  }
0x30: {  	[tilespmem:s10], [sflag:$0x1] =	stream.indirect_vreg.gather [hbm4b:s1+s3], $0x80, v4, vm0, $0xb8;
	[tilespmem:$0xD000] =	vst v63  }
0x31: {  	s11 =	simm.s32 $0x2800  }
0x32: {  	[tilespmem:s11], [sflag:$0x1] =	stream.indirect_vreg.gather [hbm4b:s1+s3], $0x80, v3, vm0, $0xb8;
	[tilespmem:$0xD000] =	vst v63  }
0x33: {  	v3 =	vld [tilespmem:$0x20];
	_ =	sdelay $0x4  }
0x34: {  	v54 =	vshll.u32 v3, $0x1  }
0x35: {  	v3 =	vand.u32 $0x7, v3;
	v4 =	vand.u32 $0xFFFFFFF0, v54  }
0x36: {  	v3 =	vor.u32 v3, v4  }
0x37: {  	v4 =	vperm.xlane v3, v0;
	_ =	sdelay $0x1  }
0x38: {  	v3 =	vperm.xlane v3, v2;
	v4 =	vadd.s32 v1, v4;
	_ =	sdelay $0x1  }
0x39: {  	v3 =	vadd.s32 v1, v3;
	_ =	sdelay $0x2  }
0x3a: {  	[tilespmem:s12], [sflag:$0x1] =	stream.indirect_vreg.gather [hbm4b:s1+s3], $0x80, v4, vm0, $0xb8;
	[tilespmem:$0xD000] =	vst v63  }
0x3b: {  	_ = 	snop  }
0x3c: {  	[tilespmem:s13], [sflag:$0x1] =	stream.indirect_vreg.gather [hbm4b:s1+s3], $0x80, v3, vm0, $0xb8;
	[tilespmem:$0xD000] =	vst v63  }
0x3d: {  	v3 =	vld [tilespmem:$0x30];
	_ =	sdelay $0x4  }
0x3e: {  	v55 =	vshll.u32 v3, $0x1  }
0x3f: {  	v3 =	vand.u32 $0x7, v3;
	v4 =	vand.u32 $0xFFFFFFF0, v55  }
0x40: {  	v3 =	vor.u32 v3, v4  }
0x41: {  	v4 =	vperm.xlane v3, v0;
	_ =	sdelay $0x1  }
0x42: {  	v3 =	vperm.xlane v3, v2;
	v4 =	vadd.s32 v1, v4;
	_ =	sdelay $0x1  }
0x43: {  	v3 =	vadd.s32 v1, v3;
	_ =	sdelay $0x2  }
0x44: {  	[tilespmem:s14], [sflag:$0x1] =	stream.indirect_vreg.gather [hbm4b:s1+s3], $0x80, v4, vm0, $0xb8;
	[tilespmem:$0xD000] =	vst v63  }
0x45: {  	_ = 	snop  }
0x46: {  	[tilespmem:s15], [sflag:$0x1] =	stream.indirect_vreg.gather [hbm4b:s1+s3], $0x80, v3, vm0, $0xb8;
	[tilespmem:$0xD000] =	vst v63  }
0x47: {  	v3 =	vld [tilespmem:$0x40];
	_ =	sdelay $0x4  }
0x48: {  	v56 =	vshll.u32 v3, $0x1  }
0x49: {  	v3 =	vand.u32 $0x7, v3;
	v4 =	vand.u32 $0xFFFFFFF0, v56  }
0x4a: {  	v3 =	vor.u32 v3, v4  }
0x4b: {  	v4 =	vperm.xlane v3, v0;
	_ =	sdelay $0x1  }
0x4c: {  	v3 =	vperm.xlane v3, v2;
	v4 =	vadd.s32 v1, v4;
	_ =	sdelay $0x1  }
0x4d: {  	v3 =	vadd.s32 v1, v3;
	_ =	sdelay $0x2  }
0x4e: {  	[tilespmem:s16], [sflag:$0x1] =	stream.indirect_vreg.gather [hbm4b:s1+s3], $0x80, v4, vm0, $0xb8;
	[tilespmem:$0xD000] =	vst v63  }
0x4f: {  	_ = 	snop  }
0x50: {  	[tilespmem:s17], [sflag:$0x1] =	stream.indirect_vreg.gather [hbm4b:s1+s3], $0x80, v3, vm0, $0xb8;
	[tilespmem:$0xD000] =	vst v63  }
0x51: {  	v3 =	vld [tilespmem:$0x50];
	_ =	sdelay $0x4  }
0x52: {  	v57 =	vshll.u32 v3, $0x1  }
0x53: {  	v3 =	vand.u32 $0x7, v3;
	v4 =	vand.u32 $0xFFFFFFF0, v57  }
0x54: {  	v3 =	vor.u32 v3, v4  }
0x55: {  	v4 =	vperm.xlane v3, v0;
	_ =	sdelay $0x1  }
0x56: {  	v3 =	vperm.xlane v3, v2;
	v4 =	vadd.s32 v1, v4;
	_ =	sdelay $0x1  }
0x57: {  	v3 =	vadd.s32 v1, v3;
	_ =	sdelay $0x2  }
0x58: {  	[tilespmem:s18], [sflag:$0x1] =	stream.indirect_vreg.gather [hbm4b:s1+s3], $0x80, v4, vm0, $0xb8;
	[tilespmem:$0xD000] =	vst v63  }
0x59: {  	_ = 	snop  }
0x5a: {  	[tilespmem:s19], [sflag:$0x1] =	stream.indirect_vreg.gather [hbm4b:s1+s3], $0x80, v3, vm0, $0xb8;
	[tilespmem:$0xD000] =	vst v63  }
0x5b: {  	v3 =	vld [tilespmem:$0x80];
	_ =	sdelay $0x4  }
0x5c: {  	v58 =	vshll.u32 v3, $0x1  }
0x5d: {  	v3 =	vand.u32 $0x7, v3;
	v4 =	vand.u32 $0xFFFFFFF0, v58  }
0x5e: {  	v3 =	vor.u32 v3, v4  }
0x5f: {  	v4 =	vperm.xlane v3, v0;
	_ =	sdelay $0x1  }
0x60: {  	v3 =	vperm.xlane v3, v2;
	v4 =	vadd.s32 v1, v4;
	_ =	sdelay $0x1  }
0x61: {  	v3 =	vadd.s32 v1, v3;
	_ =	sdelay $0x2  }
0x62: {  	[tilespmem:s20], [sflag:$0x2] =	stream.indirect_vreg.gather [hbm4b:s1+s3], $0x80, v4, vm0, $0xb8;
	[tilespmem:$0xD000] =	vst v63  }
0x63: {  	_ = 	snop  }
0x64: {  	[tilespmem:s21], [sflag:$0x2] =	stream.indirect_vreg.gather [hbm4b:s1+s3], $0x80, v3, vm0, $0xb8;
	[tilespmem:$0xD000] =	vst v63  }
0x65: {  	v3 =	vld [tilespmem:$0x90];
	_ =	sdelay $0x4  }
0x66: {  	v59 =	vshll.u32 v3, $0x1  }
0x67: {  	v3 =	vand.u32 $0x7, v3;
	v4 =	vand.u32 $0xFFFFFFF0, v59  }
0x68: {  	v3 =	vor.u32 v3, v4  }
0x69: {  	v4 =	vperm.xlane v3, v0;
	_ =	sdelay $0x1  }
0x6a: {  	v3 =	vperm.xlane v3, v2;
	v4 =	vadd.s32 v1, v4;
	_ =	sdelay $0x1  }
0x6b: {  	v3 =	vadd.s32 v1, v3;
	_ =	sdelay $0x2  }
0x6c: {  	[tilespmem:s22], [sflag:$0x2] =	stream.indirect_vreg.gather [hbm4b:s1+s3], $0x80, v4, vm0, $0xb8;
	[tilespmem:$0xD000] =	vst v63  }
0x6d: {  	_ = 	snop  }
0x6e: {  	[tilespmem:s23], [sflag:$0x2] =	stream.indirect_vreg.gather [hbm4b:s1+s3], $0x80, v3, vm0, $0xb8;
	[tilespmem:$0xD000] =	vst v63  }
0x6f: {  	v3 =	vld [tilespmem:$0xA0];
	_ =	sdelay $0x4  }
0x70: {  	v60 =	vshll.u32 v3, $0x1  }
0x71: {  	v3 =	vand.u32 $0x7, v3;
	v4 =	vand.u32 $0xFFFFFFF0, v60  }
0x72: {  	v3 =	vor.u32 v3, v4  }
0x73: {  	v4 =	vperm.xlane v3, v0;
	_ =	sdelay $0x1  }
0x74: {  	v3 =	vperm.xlane v3, v2;
	v4 =	vadd.s32 v1, v4;
	_ =	sdelay $0x1  }
0x75: {  	v3 =	vadd.s32 v1, v3;
	_ =	sdelay $0x2  }
0x76: {  	[tilespmem:s24], [sflag:$0x2] =	stream.indirect_vreg.gather [hbm4b:s1+s3], $0x80, v4, vm0, $0xb8;
	[tilespmem:$0xD000] =	vst v63  }
0x77: {  	_ = 	snop  }
0x78: {  	[tilespmem:s25], [sflag:$0x2] =	stream.indirect_vreg.gather [hbm4b:s1+s3], $0x80, v3, vm0, $0xb8;
	[tilespmem:$0xD000] =	vst v63  }
0x79: {  	v3 =	vld [tilespmem:$0xB0];
	_ =	sdelay $0x4  }
0x7a: {  	v61 =	vshll.u32 v3, $0x1  }
0x7b: {  	v3 =	vand.u32 $0x7, v3;
	v4 =	vand.u32 $0xFFFFFFF0, v61  }
0x7c: {  	v3 =	vor.u32 v3, v4  }
0x7d: {  	v4 =	vperm.xlane v3, v0;
	_ =	sdelay $0x1  }
0x7e: {  	v3 =	vperm.xlane v3, v2;
	v4 =	vadd.s32 v1, v4;
	_ =	sdelay $0x1  }
0x7f: {  	v3 =	vadd.s32 v1, v3;
	_ =	sdelay $0x2  }
0x80: {  	[tilespmem:s26], [sflag:$0x2] =	stream.indirect_vreg.gather [hbm4b:s1+s3], $0x80, v4, vm0, $0xb8;
	[tilespmem:$0xD000] =	vst v63  }
0x81: {  	_ = 	snop  }
0x82: {  	[tilespmem:s28], [sflag:$0x2] =	stream.indirect_vreg.gather [hbm4b:s1+s3], $0x80, v3, vm0, $0xb8;
	[tilespmem:$0xD000] =	vst v63  }
0x83: {  	v3 =	vld [tilespmem:$0xC0];
	_ =	sdelay $0x4  }
0x84: {  	v62 =	vshll.u32 v3, $0x1  }
0x85: {  	v3 =	vand.u32 $0x7, v3;
	v4 =	vand.u32 $0xFFFFFFF0, v62  }
0x86: {  	v3 =	vor.u32 v3, v4  }
0x87: {  	v4 =	vperm.xlane v3, v0;
	_ =	sdelay $0x1  }
0x88: {  	v3 =	vperm.xlane v3, v2;
	v4 =	vadd.s32 v1, v4;
	_ =	sdelay $0x1  }
0x89: {  	v3 =	vadd.s32 v1, v3;
	_ =	sdelay $0x2  }
0x8a: {  	[tilespmem:s29], [sflag:$0x2] =	stream.indirect_vreg.gather [hbm4b:s1+s3], $0x80, v4, vm0, $0xb8;
	[tilespmem:$0xD000] =	vst v63  }
0x8b: {  	_ = 	snop  }
0x8c: {  	[tilespmem:s30], [sflag:$0x2] =	stream.indirect_vreg.gather [hbm4b:s1+s3], $0x80, v3, vm0, $0xb8;
	[tilespmem:$0xD000] =	vst v63  }
0x8d: {  	v3 =	vld [tilespmem:$0xD0];
	_ =	sdelay $0x4  }
0x8e: {  	v63 =	vshll.u32 v3, $0x1  }
0x8f: {  	v3 =	vand.u32 $0x7, v3;
	v4 =	vand.u32 $0xFFFFFFF0, v63  }
0x90: {  	v3 =	vor.u32 v3, v4  }
0x91: {  	v4 =	vperm.xlane v3, v0;
	_ =	sdelay $0x1  }
0x92: {  	v3 =	vperm.xlane v3, v2;
	v4 =	vadd.s32 v1, v4;
	_ =	sdelay $0x1  }
0x93: {  	v3 =	vadd.s32 v1, v3;
	_ =	sdelay $0x2  }
0x94: {  	[tilespmem:s31], [sflag:$0x2] =	stream.indirect_vreg.gather [hbm4b:s1+s3], $0x80, v4, vm0, $0xb8;
	[tilespmem:$0xD000] =	vst v63  }
0x95: {  	s5 =	simm.s32 $0x1D0;
	s9 =	simm.s32 $0x0  }
0x96: {  	[tilespmem:s0], [sflag:$0x2] =	stream.indirect_vreg.gather [hbm4b:s1+s3], $0x80, v3, vm0, $0xb8;
	[tilespmem:$0xD000] =	vst v63  }
.LBB2_2:
0x97: {  	_ =	swait.ge [sflag:s2], $0x6000  }
0x98: {  	p0 =	seq.s32 s9, $0x16800;
	[sflag:s2] =	ssyncset.done $0x0  }
.Ltmp2:
0x99: {  	s10 =	sadd.s32 s9, s6;
	[sflag:s2] =	ssyncadd.s32 $0xFFFFA000;
	(pc) =	sbr.rel @p0 .LBB2_4-.Ltmp2, $4  }
0x9a: {  	[hbm4b:s10+s3] =	stream.linear.scatter [tilespmem:s8], [sflag:$0x3], $0x6000, $0x38;
	[tilespmem:$0xD000] =	vst v63  }
0x9b: {  	_ =	swait.ge [sflag:s7], $0x6000  }
0x9c: {  	[sflag:s7] =	ssyncset.done $0x0  }
0x9d: {  	[sflag:s7] =	ssyncadd.s32 $0xFFFFA000  }
0x9e: {  	v3 =	vld [tilespmem:s5+$0xFFFFFF30];
	_ =	sdelay $0x4  }
0x9f: {  	v4 =	vshll.u32 v3, $0x1  }
0xa0: {  	v3 =	vand.u32 $0x7, v3;
	v4 =	vand.u32 $0xFFFFFFF0, v4  }
0xa1: {  	v3 =	vor.u32 v3, v4  }
0xa2: {  	v4 =	vperm.xlane v3, v0;
	_ =	sdelay $0x1  }
0xa3: {  	v3 =	vperm.xlane v3, v2;
	v4 =	vadd.s32 v1, v4;
	_ =	sdelay $0x1  }
0xa4: {  	v3 =	vadd.s32 v1, v3;
	_ =	sdelay $0x2  }
0xa5: {  	[tilespmem:s8], [sflag:$0x1] =	stream.indirect_vreg.gather [hbm4b:s1+s3], $0x80, v4, vm0, $0xb8;
	[tilespmem:$0xD000] =	vst v63  }
0xa6: {  	s11 =	simm.s32 $0x1800  }
0xa7: {  	[tilespmem:s11], [sflag:$0x1] =	stream.indirect_vreg.gather [hbm4b:s1+s3], $0x80, v3, vm0, $0xb8;
	[tilespmem:$0xD000] =	vst v63  }
0xa8: {  	v3 =	vld [tilespmem:s5+$0xFFFFFF40];
	_ =	sdelay $0x4  }
0xa9: {  	v59 =	vshll.u32 v3, $0x1  }
0xaa: {  	v3 =	vand.u32 $0x7, v3;
	v4 =	vand.u32 $0xFFFFFFF0, v59  }
0xab: {  	v3 =	vor.u32 v3, v4  }
0xac: {  	v4 =	vperm.xlane v3, v0;
	_ =	sdelay $0x1  }
0xad: {  	v3 =	vperm.xlane v3, v2;
	v4 =	vadd.s32 v1, v4;
	_ =	sdelay $0x1  }
0xae: {  	v3 =	vadd.s32 v1, v3;
	_ =	sdelay $0x1  }
0xaf: {  	s11 =	simm.s32 $0x2000  }
0xb0: {  	[tilespmem:s11], [sflag:$0x1] =	stream.indirect_vreg.gather [hbm4b:s1+s3], $0x80, v4, vm0, $0xb8;
	[tilespmem:$0xD000] =	vst v63  }
0xb1: {  	s11 =	simm.s32 $0x2800  }
0xb2: {  	[tilespmem:s11], [sflag:$0x1] =	stream.indirect_vreg.gather [hbm4b:s1+s3], $0x80, v3, vm0, $0xb8;
	[tilespmem:$0xD000] =	vst v63  }
0xb3: {  	v3 =	vld [tilespmem:s5+$0xFFFFFF50];
	_ =	sdelay $0x4  }
0xb4: {  	v60 =	vshll.u32 v3, $0x1  }
0xb5: {  	v3 =	vand.u32 $0x7, v3;
	v4 =	vand.u32 $0xFFFFFFF0, v60  }
0xb6: {  	v3 =	vor.u32 v3, v4  }
0xb7: {  	v4 =	vperm.xlane v3, v0;
	_ =	sdelay $0x1  }
0xb8: {  	v3 =	vperm.xlane v3, v2;
	v4 =	vadd.s32 v1, v4;
	_ =	sdelay $0x1  }
0xb9: {  	v3 =	vadd.s32 v1, v3;
	_ =	sdelay $0x2  }
0xba: {  	[tilespmem:s12], [sflag:$0x1] =	stream.indirect_vreg.gather [hbm4b:s1+s3], $0x80, v4, vm0, $0xb8;
	[tilespmem:$0xD000] =	vst v63  }
0xbb: {  	_ = 	snop  }
0xbc: {  	[tilespmem:s13], [sflag:$0x1] =	stream.indirect_vreg.gather [hbm4b:s1+s3], $0x80, v3, vm0, $0xb8;
	[tilespmem:$0xD000] =	vst v63  }
0xbd: {  	v3 =	vld [tilespmem:s5+$0xFFFFFF60];
	_ =	sdelay $0x4  }
0xbe: {  	v61 =	vshll.u32 v3, $0x1  }
0xbf: {  	v3 =	vand.u32 $0x7, v3;
	v4 =	vand.u32 $0xFFFFFFF0, v61  }
0xc0: {  	v3 =	vor.u32 v3, v4  }
0xc1: {  	v4 =	vperm.xlane v3, v0;
	_ =	sdelay $0x1  }
0xc2: {  	v3 =	vperm.xlane v3, v2;
	v4 =	vadd.s32 v1, v4;
	_ =	sdelay $0x1  }
0xc3: {  	v3 =	vadd.s32 v1, v3;
	_ =	sdelay $0x2  }
0xc4: {  	[tilespmem:s14], [sflag:$0x1] =	stream.indirect_vreg.gather [hbm4b:s1+s3], $0x80, v4, vm0, $0xb8;
	[tilespmem:$0xD000] =	vst v63  }
0xc5: {  	_ = 	snop  }
0xc6: {  	[tilespmem:s15], [sflag:$0x1] =	stream.indirect_vreg.gather [hbm4b:s1+s3], $0x80, v3, vm0, $0xb8;
	[tilespmem:$0xD000] =	vst v63  }
0xc7: {  	v3 =	vld [tilespmem:s5+$0xFFFFFF70];
	_ =	sdelay $0x4  }
0xc8: {  	v62 =	vshll.u32 v3, $0x1  }
0xc9: {  	v3 =	vand.u32 $0x7, v3;
	v4 =	vand.u32 $0xFFFFFFF0, v62  }
0xca: {  	v3 =	vor.u32 v3, v4  }
0xcb: {  	v4 =	vperm.xlane v3, v0;
	_ =	sdelay $0x1  }
0xcc: {  	v3 =	vperm.xlane v3, v2;
	v4 =	vadd.s32 v1, v4;
	_ =	sdelay $0x1  }
0xcd: {  	v3 =	vadd.s32 v1, v3;
	_ =	sdelay $0x2  }
0xce: {  	[tilespmem:s16], [sflag:$0x1] =	stream.indirect_vreg.gather [hbm4b:s1+s3], $0x80, v4, vm0, $0xb8;
	[tilespmem:$0xD000] =	vst v63  }
0xcf: {  	_ = 	snop  }
0xd0: {  	[tilespmem:s17], [sflag:$0x1] =	stream.indirect_vreg.gather [hbm4b:s1+s3], $0x80, v3, vm0, $0xb8;
	[tilespmem:$0xD000] =	vst v63  }
0xd1: {  	v3 =	vld [tilespmem:s5+$0xFFFFFF80];
	_ =	sdelay $0x4  }
0xd2: {  	v63 =	vshll.u32 v3, $0x1  }
0xd3: {  	v3 =	vand.u32 $0x7, v3;
	v4 =	vand.u32 $0xFFFFFFF0, v63  }
0xd4: {  	v3 =	vor.u32 v3, v4  }
0xd5: {  	v4 =	vperm.xlane v3, v0;
	_ =	sdelay $0x1  }
0xd6: {  	v3 =	vperm.xlane v3, v2;
	v4 =	vadd.s32 v1, v4;
	_ =	sdelay $0x1  }
0xd7: {  	v3 =	vadd.s32 v1, v3;
	_ =	sdelay $0x2  }
0xd8: {  	[tilespmem:s18], [sflag:$0x1] =	stream.indirect_vreg.gather [hbm4b:s1+s3], $0x80, v4, vm0, $0xb8;
	[tilespmem:$0xD000] =	vst v63  }
0xd9: {  	_ = 	snop  }
0xda: {  	[tilespmem:s19], [sflag:$0x1] =	stream.indirect_vreg.gather [hbm4b:s1+s3], $0x80, v3, vm0, $0xb8;
	[tilespmem:$0xD000] =	vst v63  }
.LBB2_4:
0xdb: {  	_ =	swait.ge [sflag:s4], $0x6000  }
0xdc: {  	[sflag:s4] =	ssyncset.done $0x0  }
.Ltmp3:
0xdd: {  	s10 =	sadd.s32 $0xC00, s10;
	[sflag:s4] =	ssyncadd.s32 $0xFFFFA000;
	(pc) =	sbr.rel @p0 .LBB2_6-.Ltmp3, $4  }
0xde: {  	[hbm4b:s10+s3] =	stream.linear.scatter [tilespmem:s20], [sflag:$0x3], $0x6000, $0x38;
	[tilespmem:$0xD000] =	vst v63  }
0xdf: {  	_ =	swait.ge [sflag:s7], $0x6000  }
0xe0: {  	[sflag:s7] =	ssyncset.done $0x0  }
0xe1: {  	[sflag:s7] =	ssyncadd.s32 $0xFFFFA000  }
0xe2: {  	v3 =	vld [tilespmem:s5+$0xFFFFFFB0];
	_ =	sdelay $0x4  }
0xe3: {  	v4 =	vshll.u32 v3, $0x1  }
0xe4: {  	v3 =	vand.u32 $0x7, v3;
	v4 =	vand.u32 $0xFFFFFFF0, v4  }
0xe5: {  	v3 =	vor.u32 v3, v4  }
0xe6: {  	v4 =	vperm.xlane v3, v0;
	_ =	sdelay $0x1  }
0xe7: {  	v3 =	vperm.xlane v3, v2;
	v4 =	vadd.s32 v1, v4;
	_ =	sdelay $0x1  }
0xe8: {  	v3 =	vadd.s32 v1, v3;
	_ =	sdelay $0x2  }
0xe9: {  	[tilespmem:s20], [sflag:$0x2] =	stream.indirect_vreg.gather [hbm4b:s1+s3], $0x80, v4, vm0, $0xb8;
	[tilespmem:$0xD000] =	vst v63  }
0xea: {  	_ = 	snop  }
0xeb: {  	[tilespmem:s21], [sflag:$0x2] =	stream.indirect_vreg.gather [hbm4b:s1+s3], $0x80, v3, vm0, $0xb8;
	[tilespmem:$0xD000] =	vst v63  }
0xec: {  	v3 =	vld [tilespmem:s5+$0xFFFFFFC0];
	_ =	sdelay $0x4  }
0xed: {  	v59 =	vshll.u32 v3, $0x1  }
0xee: {  	v3 =	vand.u32 $0x7, v3;
	v4 =	vand.u32 $0xFFFFFFF0, v59  }
0xef: {  	v3 =	vor.u32 v3, v4  }
0xf0: {  	v4 =	vperm.xlane v3, v0;
	_ =	sdelay $0x1  }
0xf1: {  	v3 =	vperm.xlane v3, v2;
	v4 =	vadd.s32 v1, v4;
	_ =	sdelay $0x1  }
0xf2: {  	v3 =	vadd.s32 v1, v3;
	_ =	sdelay $0x2  }
0xf3: {  	[tilespmem:s22], [sflag:$0x2] =	stream.indirect_vreg.gather [hbm4b:s1+s3], $0x80, v4, vm0, $0xb8;
	[tilespmem:$0xD000] =	vst v63  }
0xf4: {  	_ = 	snop  }
0xf5: {  	[tilespmem:s23], [sflag:$0x2] =	stream.indirect_vreg.gather [hbm4b:s1+s3], $0x80, v3, vm0, $0xb8;
	[tilespmem:$0xD000] =	vst v63  }
0xf6: {  	v3 =	vld [tilespmem:s5+$0xFFFFFFD0];
	_ =	sdelay $0x4  }
0xf7: {  	v60 =	vshll.u32 v3, $0x1  }
0xf8: {  	v3 =	vand.u32 $0x7, v3;
	v4 =	vand.u32 $0xFFFFFFF0, v60  }
0xf9: {  	v3 =	vor.u32 v3, v4  }
0xfa: {  	v4 =	vperm.xlane v3, v0;
	_ =	sdelay $0x1  }
0xfb: {  	v3 =	vperm.xlane v3, v2;
	v4 =	vadd.s32 v1, v4;
	_ =	sdelay $0x1  }
0xfc: {  	v3 =	vadd.s32 v1, v3;
	_ =	sdelay $0x2  }
0xfd: {  	[tilespmem:s24], [sflag:$0x2] =	stream.indirect_vreg.gather [hbm4b:s1+s3], $0x80, v4, vm0, $0xb8;
	[tilespmem:$0xD000] =	vst v63  }
0xfe: {  	_ = 	snop  }
0xff: {  	[tilespmem:s25], [sflag:$0x2] =	stream.indirect_vreg.gather [hbm4b:s1+s3], $0x80, v3, vm0, $0xb8;
	[tilespmem:$0xD000] =	vst v63  }
0x100: {  	v3 =	vld [tilespmem:s5+$0xFFFFFFE0];
	_ =	sdelay $0x4  }
0x101: {  	v61 =	vshll.u32 v3, $0x1  }
0x102: {  	v3 =	vand.u32 $0x7, v3;
	v4 =	vand.u32 $0xFFFFFFF0, v61  }
0x103: {  	v3 =	vor.u32 v3, v4  }
0x104: {  	v4 =	vperm.xlane v3, v0;
	_ =	sdelay $0x1  }
0x105: {  	v3 =	vperm.xlane v3, v2;
	v4 =	vadd.s32 v1, v4;
	_ =	sdelay $0x1  }
0x106: {  	v3 =	vadd.s32 v1, v3;
	_ =	sdelay $0x2  }
0x107: {  	[tilespmem:s26], [sflag:$0x2] =	stream.indirect_vreg.gather [hbm4b:s1+s3], $0x80, v4, vm0, $0xb8;
	[tilespmem:$0xD000] =	vst v63  }
0x108: {  	_ = 	snop  }
0x109: {  	[tilespmem:s28], [sflag:$0x2] =	stream.indirect_vreg.gather [hbm4b:s1+s3], $0x80, v3, vm0, $0xb8;
	[tilespmem:$0xD000] =	vst v63  }
0x10a: {  	v3 =	vld [tilespmem:s5+$0xFFFFFFF0];
	_ =	sdelay $0x4  }
0x10b: {  	v62 =	vshll.u32 v3, $0x1  }
0x10c: {  	v3 =	vand.u32 $0x7, v3;
	v4 =	vand.u32 $0xFFFFFFF0, v62  }
0x10d: {  	v3 =	vor.u32 v3, v4  }
0x10e: {  	v4 =	vperm.xlane v3, v0;
	_ =	sdelay $0x1  }
0x10f: {  	v3 =	vperm.xlane v3, v2;
	v4 =	vadd.s32 v1, v4;
	_ =	sdelay $0x1  }
0x110: {  	v3 =	vadd.s32 v1, v3;
	_ =	sdelay $0x2  }
0x111: {  	[tilespmem:s29], [sflag:$0x2] =	stream.indirect_vreg.gather [hbm4b:s1+s3], $0x80, v4, vm0, $0xb8;
	[tilespmem:$0xD000] =	vst v63  }
0x112: {  	_ = 	snop  }
0x113: {  	[tilespmem:s30], [sflag:$0x2] =	stream.indirect_vreg.gather [hbm4b:s1+s3], $0x80, v3, vm0, $0xb8;
	[tilespmem:$0xD000] =	vst v63  }
0x114: {  	v3 =	vld [tilespmem:s5+$0x0];
	_ =	sdelay $0x4  }
0x115: {  	v63 =	vshll.u32 v3, $0x1  }
0x116: {  	v3 =	vand.u32 $0x7, v3;
	v4 =	vand.u32 $0xFFFFFFF0, v63  }
0x117: {  	v3 =	vor.u32 v3, v4  }
0x118: {  	v4 =	vperm.xlane v3, v0;
	_ =	sdelay $0x1  }
0x119: {  	v3 =	vperm.xlane v3, v2;
	v4 =	vadd.s32 v1, v4;
	_ =	sdelay $0x1  }
0x11a: {  	v3 =	vadd.s32 v1, v3  }
.Ltmp4:
0x11b: {  	_ = 	snop;
	(pc) =	sbr.rel .LBB2_2-.Ltmp4, $4  }
0x11c: {  	_ = 	snop  }
0x11d: {  	[tilespmem:s31], [sflag:$0x2] =	stream.indirect_vreg.gather [hbm4b:s1+s3], $0x80, v4, vm0, $0xb8;
	[tilespmem:$0xD000] =	vst v63  }
0x11e: {  	s9 =	sadd.s32 $0x1800, s9;
	s5 =	sadd.s32 $0x100, s5  }
0x11f: {  	[tilespmem:s0], [sflag:$0x2] =	stream.indirect_vreg.gather [hbm4b:s1+s3], $0x80, v3, vm0, $0xb8;
	[tilespmem:$0xD000] =	vst v63  }
.LBB2_7:
0x120: {  	_ =	sfence.sel $0x180000  }
0x121: {  	[bflag:$0x0] =	sbarrier.arrive $0xFFFF  }
0x122: {  	_ =	strace $0x90000047  }
0x123: {  	s0 =	stileid.u32;
	[bflag:$0x2] =	sbarrier.arrive $0xFFFF  }
0x124: {  	p0 =	sne.s32 s0, $0x0;
	s0 =	rddreg [dreg:$0x3]  }
0x125: {  	s0 =	sadd.s32 @!p0 $0x100000, s0  }
0x126: {  	[sflag:s0] =	ssyncadd.tile.s32 @!p0 $0x1;
	_ =	shalt  }
.Lfunc_end2:
_tile_overlayer_lowered:
.L_overlay_start_2:
0x127: {  	(tag) =	ssettag $0x2  }
0x128: {  	s0 =	rddreg [dreg:$0x0];
	s2 =	stileid.u32  }
0x129: {  	s1 =	rddreg [dreg:$0x1];
	p0 =	sne.s32 s2, $0x0  }
0x12a: {  	s3 =	rddreg [dreg:$0x2];
	[bflag:$0x3] =	sbarrier.arrive $0xFFFF;
	s2 =	simm.s32 @!p0 $0x1C03  }
0x12b: {  	[timem:s3], [sflag:s2] =	dma.local @!p0 [hbm:s0], s1  }
0x12c: {  	s0 =	simm.s32 @!p0 $0x3  }
0x12d: {  	_ =	swait.ge @!p0 [sflag:s0], s1  }
0x12e: {  	s1 =	ssub.s32 @!p0 $0x0, s1;
	[sflag:s0] =	ssyncset.done @!p0 $0x0  }
0x12f: {  	[sflag:s0] =	ssyncadd.s32 @!p0 s1  }
0x130: {  	[bflag:$0x3] =	sbarrier.arrive $0xFFFF  }
0x131: {  	_ =	shalt  }

</sc_bundles>
